<compile_context>
chip_gen: v7x
topology: tpu7x:2x2x1
jax: 0.10.2.dev20260603
libtpu: 0.0.44.dev20260713+nightly
codegen_flags: <defaults>
</compile_context>

<pallas_src>
import functools

import jax
import jax.numpy as jnp
from jax.experimental import pallas as pl
from jax.experimental.pallas import tpu as pltpu
from jax.experimental.pallas import tpu_sc as plsc

_B = 16384
_D = 16
_WIN = 128
_BB = 2048


def _gather3(s_idx, l_idx, r_idx, s_tab, l_tab, r_tab):
    mesh = plsc.VectorSubcoreMesh(core_axis_name="core", subcore_axis_name="subcore")
    out_sds = jax.ShapeDtypeStruct((_B, _D), jnp.float32)

    @functools.partial(
        pl.kernel, out_type=(out_sds, out_sds, out_sds), mesh=mesh,
        compiler_params=pltpu.CompilerParams(use_tc_tiling_on_sc=False))
    def gather_kernel(si, li, ri, st, lt, rt, so, lo, ro):
        for idx_hbm, tab_hbm, out_hbm in ((si, st, so), (li, lt, lo), (ri, rt, ro)):
            def body(i_vmem, o_vmem, _tab=tab_hbm):
                pltpu.sync_copy(_tab.at[i_vmem.at[0]], o_vmem)

            pltpu.emit_pipeline(
                body,
                grid=(_B // _WIN,),
                in_specs=[pl.BlockSpec((1, _WIN), index_map=lambda i: (0, i))],
                out_specs=[pl.BlockSpec((_WIN, _D), index_map=lambda i: (i, 0))],
                core_axis_name=("core", "subcore"),
                dimension_semantics=(pltpu.PARALLEL,),
            )(idx_hbm, out_hbm)

    return gather_kernel(
        s_idx.reshape(1, _B), l_idx.reshape(1, _B), r_idx.reshape(1, _B),
        s_tab, l_tab, r_tab,
    )


def _mlp_body(s_ref, l_ref, r_ref, w1s_ref, w1l_ref, w1r_ref, b1_ref,
              w2_ref, b2_ref, w3_ref, b3_ref, o_ref):
    h = (jnp.dot(s_ref[...], w1s_ref[...], preferred_element_type=jnp.float32)
         + jnp.dot(l_ref[...], w1l_ref[...], preferred_element_type=jnp.float32)
         + jnp.dot(r_ref[...], w1r_ref[...], preferred_element_type=jnp.float32)
         + b1_ref[...])
    h = jnp.maximum(h, 0.0)
    h2 = jnp.dot(h, w2_ref[...], preferred_element_type=jnp.float32) + b2_ref[...]
    h2 = jnp.maximum(h2, 0.0)
    z = jnp.dot(h2, w3_ref[...], preferred_element_type=jnp.float32) + b3_ref[...]
    o_ref[...] = 1.0 / (1.0 + jnp.exp(-z))


def _mlp(s_rows, l_rows, r_rows, W1, b1, W2, b2, W3, b3):
    w1s, w1l, w1r = W1[0:16], W1[16:32], W1[32:48]
    b1r = b1.reshape(1, 64)
    b2r = b2.reshape(1, 32)
    b3r = b3.reshape(1, 1)
    full = lambda shape: pl.BlockSpec(shape, lambda i: (0, 0))
    return pl.pallas_call(
        _mlp_body,
        grid=(_B // _BB,),
        in_specs=[pl.BlockSpec((_BB, _D), lambda i: (i, 0))] * 3 + [
            full((16, 64)), full((16, 64)), full((16, 64)), full((1, 64)),
            full((64, 32)), full((1, 32)),
            full((32, 1)), full((1, 1)),
        ],
        out_specs=pl.BlockSpec((_BB, 1), lambda i: (i, 0)),
        out_shape=jax.ShapeDtypeStruct((_B, 1), jnp.float32),
    )(s_rows, l_rows, r_rows, w1s, w1l, w1r, b1r, W2, b2r, W3, b3r)


def kernel(skill_idx, location_idx, role_idx, skill_table, location_table,
           role_table, W1, b1, W2, b2, W3, b3):
    s_rows, l_rows, r_rows = _gather3(
        skill_idx.astype(jnp.int32), location_idx.astype(jnp.int32),
        role_idx.astype(jnp.int32), skill_table, location_table, role_table)
    out = _mlp(s_rows, l_rows, r_rows, W1, b1, W2, b2, W3, b3)
    return out[:, 0]

# --- scband reference (transcript-rebuilt; emitter-appended) ---
"""Pipeline reference for scband-recommendation-ann-18580028522738 (READ-ONLY COPY).

The authoritative reference and input builder live on the scoring server;
editing this copy changes nothing except your own understanding.
"""

import jax, jax.numpy as jnp
import numpy as np

B = 16384
D = 16
NUM_SKILLS = 1000000
NUM_LOCATIONS = 100000
NUM_ROLES = 1000


def setup_inputs(seed: int = 0) -> dict:
    key = jax.random.key(seed)
    ks = jax.random.split(key, 12)
    skill_idx = jax.random.randint(ks[0], (B,), 0, NUM_SKILLS, dtype=jnp.int64 if jax.config.jax_enable_x64 else jnp.int32)
    location_idx = jax.random.randint(ks[1], (B,), 0, NUM_LOCATIONS, dtype=skill_idx.dtype)
    role_idx = jax.random.randint(ks[2], (B,), 0, NUM_ROLES, dtype=skill_idx.dtype)
    skill_table = jax.random.normal(ks[3], (NUM_SKILLS, D), dtype=jnp.float32) * 0.02
    location_table = jax.random.normal(ks[4], (NUM_LOCATIONS, D), dtype=jnp.float32) * 0.02
    role_table = jax.random.normal(ks[5], (NUM_ROLES, D), dtype=jnp.float32) * 0.02
    W1 = jax.random.normal(ks[6], (D * 3, 64), dtype=jnp.float32) * 0.1
    b1 = jnp.zeros((64,), dtype=jnp.float32)
    W2 = jax.random.normal(ks[7], (64, 32), dtype=jnp.float32) * 0.1
    b2 = jnp.zeros((32,), dtype=jnp.float32)
    W3 = jax.random.normal(ks[8], (32, 1), dtype=jnp.float32) * 0.1
    b3 = jnp.zeros((1,), dtype=jnp.float32)
    return {
        'skill_idx': skill_idx,
        'location_idx': location_idx,
        'role_idx': role_idx,
        'skill_table': skill_table,
        'location_table': location_table,
        'role_table': role_table,
        'W1': W1, 'b1': b1,
        'W2': W2, 'b2': b2,
        'W3': W3, 'b3': b3,
    }


def reference(skill_idx, location_idx, role_idx, skill_table, location_table, role_table, W1, b1, W2, b2, W3, b3):
    skill_embed = jnp.take(skill_table, skill_idx, axis=0)
    location_embed = jnp.take(location_table, location_idx, axis=0)
    role_embed = jnp.take(role_table, role_idx, axis=0)
    x = jnp.concatenate([skill_embed, location_embed, role_embed], axis=1)
    x = jax.nn.relu(x @ W1 + b1)
    x = jax.nn.relu(x @ W2 + b2)
    x = jax.nn.sigmoid(x @ W3 + b3)
    return jnp.squeeze(x, axis=-1)

if __name__ == "__main__":
    import jax
    _d = setup_inputs()
    print(jax.jit(kernel)(*tuple(_d.values())))

</pallas_src>

<mosaic_0001>
#map = affine_map<(d0, d1) -> (0, 0)>
module attributes {stable_mosaic.version = 14 : i64} {
  func.func @gather_kernel(%arg0: i32, %arg1: i32, %arg2: memref<1x16384xi32, #tpu.memory_space<hbm>>, %arg3: memref<1x16384xi32, #tpu.memory_space<hbm>>, %arg4: memref<1x16384xi32, #tpu.memory_space<hbm>>, %arg5: memref<1000000x16xf32, #tpu.memory_space<hbm>>, %arg6: memref<100000x16xf32, #tpu.memory_space<hbm>>, %arg7: memref<1000x16xf32, #tpu.memory_space<hbm>>, %arg8: memref<16384x16xf32, #tpu.memory_space<hbm>>, %arg9: memref<16384x16xf32, #tpu.memory_space<hbm>>, %arg10: memref<16384x16xf32, #tpu.memory_space<hbm>>) attributes {dimension_semantics = [#tpu.dimension_semantics<core_parallel>, #tpu.dimension_semantics<subcore_parallel>], iteration_bounds = array<i64: 2, 16>, scalar_prefetch = 0 : i64, scratch_operands = 0 : i64, tpu.core_type = #tpu.core_type<sc_vector_subcore>, window_params = [{transform_indices = #map}, {transform_indices = #map}, {transform_indices = #map}, {transform_indices = #map}, {transform_indices = #map}, {transform_indices = #map}, {transform_indices = #map}, {transform_indices = #map}, {transform_indices = #map}]} {
    %mul3A = arith.constant 1 : i32
    %mul3A_0 = arith.muli %arg1, %mul3A : i32
    %add3A = arith.constant 0 : i32
    %add3A_1 = arith.addi %add3A, %mul3A_0 : i32
    %mul3A_2 = arith.constant 16 : i32
    %mul3A_3 = arith.muli %arg0, %mul3A_2 : i32
    %add3A_4 = arith.addi %add3A_1, %mul3A_3 : i32
    %mul3A_5 = arith.constant 4 : i32
    %mul3A_6 = arith.muli %add3A_4, %mul3A_5 : i32
    "tpu.region"() ({
      %run_scoped3A = memref.alloca() : memref<2x1x128xi32, #tpu.memory_space<vmem>>
      %run_scoped3A_25 = tpu.sem_alloc : memref<2x!tpu.dma_semaphore, #tpu.memory_space<semaphore_mem>>
      %run_scoped3A_26 = memref.alloca() : memref<2x128x16xf32, #tpu.memory_space<vmem>>
      %run_scoped3A_27 = tpu.sem_alloc : memref<2x!tpu.dma_semaphore, #tpu.memory_space<semaphore_mem>>
      %add3A_28 = arith.constant 0 : i32
      %add3A_29 = arith.addi %add3A_28, %mul3A_6 : i32
      %select_n3A = arith.constant true
      %select_n3A_30 = arith.constant 0 : i32
      %select_n3A_31 = arith.constant -1 : i32
      %select_n3A_32 = arith.select %select_n3A, %select_n3A_31, %select_n3A_30 : i32
      %eq3A = arith.constant -1 : i32
      %eq3A_33 = arith.cmpi eq, %select_n3A_32, %eq3A : i32
      %select_n3A_34 = arith.constant 3 : i32
      %select_n3A_35 = arith.select %eq3A_33, %select_n3A_34, %select_n3A_32 : i32
      %add3A_36 = arith.addi %select_n3A_35, %mul3A_6 : i32
      %select_n3A_37 = arith.constant true
      %select_n3A_38 = arith.constant 0 : i32
      %select_n3A_39 = arith.constant 1 : i32
      %select_n3A_40 = arith.select %select_n3A_37, %select_n3A_39, %select_n3A_38 : i32
      %eq3A_41 = arith.constant 4 : i32
      %eq3A_42 = arith.cmpi eq, %select_n3A_40, %eq3A_41 : i32
      %select_n3A_43 = arith.constant 0 : i32
      %select_n3A_44 = arith.select %eq3A_42, %select_n3A_43, %select_n3A_40 : i32
      %add3A_45 = arith.addi %select_n3A_44, %mul3A_6 : i32
      %add3A_46 = arith.constant 1 : i32
      %add3A_47 = arith.addi %select_n3A_44, %add3A_46 : i32
      %select_n3A_48 = arith.constant true
      %select_n3A_49 = arith.select %select_n3A_48, %add3A_47, %select_n3A_44 : i32
      %eq3A_50 = arith.constant 4 : i32
      %eq3A_51 = arith.cmpi eq, %select_n3A_49, %eq3A_50 : i32
      %select_n3A_52 = arith.constant 0 : i32
      %select_n3A_53 = arith.select %eq3A_51, %select_n3A_52, %select_n3A_49 : i32
      %add3A_54 = arith.addi %select_n3A_53, %mul3A_6 : i32
      "tpu.trace_start"() <{level = 10 : i32, message = "ep_initialize_0"}> : () -> ()
      %rem3A = arith.constant 0 : i32
      %rem3A_55 = arith.constant 2 : i32
      %rem3A_56 = arith.remui %rem3A, %rem3A_55 : i32
      %mul3A_57 = arith.constant 128 : i32
      %mul3A_58 = arith.muli %mul3A_57, %add3A_29 : i32
      %dma_start3A = arith.constant 0 : i32
      %dma_start3A_59 = arith.constant 0 : i32
      %dma_start3A_60 = tpu.memref_slice %run_scoped3A[%rem3A_56, %dma_start3A, %dma_start3A_59] : memref<2x1x128xi32, #tpu.memory_space<vmem>> -> memref<1x1x128xi32, #tpu.memory_space<vmem>>
      %dma_start3A_61 = tpu.memref_squeeze %dma_start3A_60 : memref<1x1x128xi32, #tpu.memory_space<vmem>> -> memref<1x128xi32, #tpu.memory_space<vmem>>
      %dma_start3A_62 = arith.constant 0 : i32
      %dma_start3A_63 = tpu.memref_slice %arg2[%dma_start3A_62, %mul3A_58] : memref<1x16384xi32, #tpu.memory_space<hbm>> -> memref<1x128xi32, #tpu.memory_space<hbm>>
      %dma_start3A_64 = tpu.memref_slice %run_scoped3A_25[%rem3A_56] : memref<2x!tpu.dma_semaphore, #tpu.memory_space<semaphore_mem>> -> memref<1x!tpu.dma_semaphore, #tpu.memory_space<semaphore_mem>>
      %dma_start3A_65 = tpu.memref_squeeze %dma_start3A_64 : memref<1x!tpu.dma_semaphore, #tpu.memory_space<semaphore_mem>> -> memref<!tpu.dma_semaphore, #tpu.memory_space<semaphore_mem>>
      %dma_start3A_66 = arith.constant 0 : i32
      %dma_start3A_67 = arith.constant 0 : i32
      %dma_start3A_68 = tpu.memref_slice %run_scoped3A[%rem3A_56, %dma_start3A_66, %dma_start3A_67] : memref<2x1x128xi32, #tpu.memory_space<vmem>> -> memref<1x1x128xi32, #tpu.memory_space<vmem>>
      %dma_start3A_69 = tpu.memref_squeeze %dma_start3A_68 : memref<1x1x128xi32, #tpu.memory_space<vmem>> -> memref<1x128xi32, #tpu.memory_space<vmem>>
      %dma_start3A_70 = arith.constant 0 : i32
      %dma_start3A_71 = tpu.memref_slice %arg2[%dma_start3A_70, %mul3A_58] : memref<1x16384xi32, #tpu.memory_space<hbm>> -> memref<1x128xi32, #tpu.memory_space<hbm>>
      tpu.enqueue_dma source(%dma_start3A_71 : memref<1x128xi32, #tpu.memory_space<hbm>>) target(%dma_start3A_69 : memref<1x128xi32, #tpu.memory_space<vmem>>) target_semaphore(%dma_start3A_65 : memref<!tpu.dma_semaphore, #tpu.memory_space<semaphore_mem>>)
      %add3A_72 = arith.constant 0 : i32
      %add3A_73 = arith.constant 1 : i32
      %add3A_74 = arith.addi %add3A_72, %add3A_73 : i32
      %select_n3A_75 = arith.constant true
      %select_n3A_76 = arith.constant 0 : i32
      %select_n3A_77 = arith.select %select_n3A_75, %add3A_74, %select_n3A_76 : i32
      "tpu.trace_stop"() : () -> ()
      %scan3A = arith.constant 0 : i32
      %scan3A_78 = arith.constant 0 : i32
      %scan3A_79 = arith.constant 0 : i32
      %scan3A_80 = arith.constant 0 : i32
      %scan3A_81 = arith.constant 0 : i32
      %scan3A_82 = arith.constant 4 : i32
      %scan3A_83 = arith.addi %scan3A_81, %scan3A_82 : i32
      %scan3A_84 = arith.constant 1 : i32
      %scan3A_85:5 = scf.for %scan3A_139 = %scan3A_81 to %scan3A_83 step %scan3A_84 iter_args(%scan3A_140 = %select_n3A_77, %scan3A_141 = %scan3A, %scan3A_142 = %scan3A_78, %scan3A_143 = %scan3A_79, %scan3A_144 = %scan3A_80) -> (i32, i32, i32, i32, i32)  : i32 {
        %eq3A_145 = arith.constant 0 : i32
        %eq3A_146 = arith.cmpi eq, %scan3A_139, %eq3A_145 : i32
        %eq3A_147 = arith.constant 3 : i32
        %eq3A_148 = arith.cmpi eq, %scan3A_139, %eq3A_147 : i32
        %add3A_149 = arith.addi %scan3A_144, %mul3A_6 : i32
        %sub3A_150 = arith.constant 1 : i32
        %sub3A_151 = arith.subi %scan3A_144, %sub3A_150 : i32
        %select_n3A_152 = arith.constant true
        %select_n3A_153 = arith.select %select_n3A_152, %sub3A_151, %scan3A_144 : i32
        %eq3A_154 = arith.constant -1 : i32
        %eq3A_155 = arith.cmpi eq, %select_n3A_153, %eq3A_154 : i32
        %select_n3A_156 = arith.constant 3 : i32
        %select_n3A_157 = arith.select %eq3A_155, %select_n3A_156, %select_n3A_153 : i32
        %add3A_158 = arith.addi %select_n3A_157, %mul3A_6 : i32
        %add3A_159 = arith.constant 1 : i32
        %add3A_160 = arith.addi %scan3A_144, %add3A_159 : i32
        %select_n3A_161 = arith.constant true
        %select_n3A_162 = arith.select %select_n3A_161, %add3A_160, %scan3A_144 : i32
        %eq3A_163 = arith.constant 4 : i32
        %eq3A_164 = arith.cmpi eq, %select_n3A_162, %eq3A_163 : i32
        %select_n3A_165 = arith.constant 0 : i32
        %select_n3A_166 = arith.select %eq3A_164, %select_n3A_165, %select_n3A_162 : i32
        %add3A_167 = arith.addi %select_n3A_166, %mul3A_6 : i32
        %add3A_168 = arith.constant 1 : i32
        %add3A_169 = arith.addi %select_n3A_166, %add3A_168 : i32
        %select_n3A_170 = arith.constant true
        %select_n3A_171 = arith.select %select_n3A_170, %add3A_169, %select_n3A_166 : i32
        %eq3A_172 = arith.constant 4 : i32
        %eq3A_173 = arith.cmpi eq, %select_n3A_171, %eq3A_172 : i32
        %select_n3A_174 = arith.constant 0 : i32
        %select_n3A_175 = arith.select %eq3A_173, %select_n3A_174, %select_n3A_171 : i32
        %add3A_176 = arith.addi %select_n3A_175, %mul3A_6 : i32
        %ne3A = arith.cmpi ne, %add3A_149, %add3A_167 : i32
        %or3A = arith.constant false
        %or3A_177 = arith.ori %or3A, %ne3A : i1
        %ge3A = arith.constant 3 : i32
        %ge3A_178 = arith.cmpi sge, %scan3A_139, %ge3A : i32
        %not3A = arith.constant true
        %not3A_179 = arith.xori %ge3A_178, %not3A : i1
        %and3A = arith.andi %or3A_177, %not3A_179 : i1
        %convert_element_type3A = arith.extui %and3A : i1 to i32
        %cond3A = arith.constant 0 : i32
        %cond3A_180 = arith.cmpi ne, %convert_element_type3A, %cond3A : i32
        scf.if %cond3A_180 {
          "tpu.trace_start"() <{level = 10 : i32, message = "ep_copy_in"}> : () -> ()
          %rem3A_282 = arith.constant 2 : i32
          %rem3A_283 = arith.remui %scan3A_140, %rem3A_282 : i32
          %mul3A_284 = arith.constant 128 : i32
          %mul3A_285 = arith.muli %mul3A_284, %add3A_167 : i32
          %dma_start3A_286 = arith.constant 0 : i32
          %dma_start3A_287 = arith.constant 0 : i32
          %dma_start3A_288 = tpu.memref_slice %run_scoped3A[%rem3A_283, %dma_start3A_286, %dma_start3A_287] : memref<2x1x128xi32, #tpu.memory_space<vmem>> -> memref<1x1x128xi32, #tpu.memory_space<vmem>>
          %dma_start3A_289 = tpu.memref_squeeze %dma_start3A_288 : memref<1x1x128xi32, #tpu.memory_space<vmem>> -> memref<1x128xi32, #tpu.memory_space<vmem>>
          %dma_start3A_290 = arith.constant 0 : i32
          %dma_start3A_291 = tpu.memref_slice %arg2[%dma_start3A_290, %mul3A_285] : memref<1x16384xi32, #tpu.memory_space<hbm>> -> memref<1x128xi32, #tpu.memory_space<hbm>>
          %dma_start3A_292 = tpu.memref_slice %run_scoped3A_25[%rem3A_283] : memref<2x!tpu.dma_semaphore, #tpu.memory_space<semaphore_mem>> -> memref<1x!tpu.dma_semaphore, #tpu.memory_space<semaphore_mem>>
          %dma_start3A_293 = tpu.memref_squeeze %dma_start3A_292 : memref<1x!tpu.dma_semaphore, #tpu.memory_space<semaphore_mem>> -> memref<!tpu.dma_semaphore, #tpu.memory_space<semaphore_mem>>
          %dma_start3A_294 = arith.constant 0 : i32
          %dma_start3A_295 = arith.constant 0 : i32
          %dma_start3A_296 = tpu.memref_slice %run_scoped3A[%rem3A_283, %dma_start3A_294, %dma_start3A_295] : memref<2x1x128xi32, #tpu.memory_space<vmem>> -> memref<1x1x128xi32, #tpu.memory_space<vmem>>
          %dma_start3A_297 = tpu.memref_squeeze %dma_start3A_296 : memref<1x1x128xi32, #tpu.memory_space<vmem>> -> memref<1x128xi32, #tpu.memory_space<vmem>>
          %dma_start3A_298 = arith.constant 0 : i32
          %dma_start3A_299 = tpu.memref_slice %arg2[%dma_start3A_298, %mul3A_285] : memref<1x16384xi32, #tpu.memory_space<hbm>> -> memref<1x128xi32, #tpu.memory_space<hbm>>
          tpu.enqueue_dma source(%dma_start3A_299 : memref<1x128xi32, #tpu.memory_space<hbm>>) target(%dma_start3A_297 : memref<1x128xi32, #tpu.memory_space<vmem>>) target_semaphore(%dma_start3A_293 : memref<!tpu.dma_semaphore, #tpu.memory_space<semaphore_mem>>)
          "tpu.trace_stop"() : () -> ()
        } else {
        }
        %and3A_181 = arith.constant true
        %and3A_182 = arith.andi %and3A, %and3A_181 : i1
        %add3A_183 = arith.constant 1 : i32
        %add3A_184 = arith.addi %scan3A_140, %add3A_183 : i32
        %select_n3A_185 = arith.select %and3A_182, %add3A_184, %scan3A_140 : i32
        %ne3A_186 = arith.cmpi ne, %add3A_149, %add3A_167 : i32
        %or3A_187 = arith.constant false
        %or3A_188 = arith.ori %or3A_187, %ne3A_186 : i1
        %or3A_189 = arith.constant false
        %or3A_190 = arith.ori %or3A_188, %or3A_189 : i1
        %ge3A_191 = arith.constant 3 : i32
        %ge3A_192 = arith.cmpi sge, %scan3A_139, %ge3A_191 : i32
        %not3A_193 = arith.constant true
        %not3A_194 = arith.xori %ge3A_192, %not3A_193 : i1
        %and3A_195 = arith.andi %or3A_190, %not3A_194 : i1
        %ne3A_196 = arith.cmpi ne, %add3A_149, %add3A_158 : i32
        %or3A_197 = arith.constant false
        %or3A_198 = arith.ori %or3A_197, %ne3A_196 : i1
        %or3A_199 = arith.ori %or3A_198, %eq3A_146 : i1
        %convert_element_type3A_200 = arith.extui %or3A_199 : i1 to i32
        %cond3A_201 = arith.constant 0 : i32
        %cond3A_202 = arith.cmpi ne, %convert_element_type3A_200, %cond3A_201 : i32
        scf.if %cond3A_202 {
          "tpu.trace_start"() <{level = 10 : i32, message = "ep_wait_in"}> : () -> ()
          %mul3A_282 = arith.constant 128 : i32
          %mul3A_283 = arith.muli %mul3A_282, %add3A_149 : i32
          %rem3A_284 = arith.constant 2 : i32
          %rem3A_285 = arith.remui %scan3A_141, %rem3A_284 : i32
          %dma_wait3A_286 = arith.constant 0 : i32
          %dma_wait3A_287 = arith.constant 0 : i32
          %dma_wait3A_288 = tpu.memref_slice %run_scoped3A[%rem3A_285, %dma_wait3A_286, %dma_wait3A_287] : memref<2x1x128xi32, #tpu.memory_space<vmem>> -> memref<1x1x128xi32, #tpu.memory_space<vmem>>
          %dma_wait3A_289 = tpu.memref_squeeze %dma_wait3A_288 : memref<1x1x128xi32, #tpu.memory_space<vmem>> -> memref<1x128xi32, #tpu.memory_space<vmem>>
          %dma_wait3A_290 = arith.constant 0 : i32
          %dma_wait3A_291 = tpu.memref_slice %arg2[%dma_wait3A_290, %mul3A_283] : memref<1x16384xi32, #tpu.memory_space<hbm>> -> memref<1x128xi32, #tpu.memory_space<hbm>>
          %dma_wait3A_292 = tpu.memref_slice %run_scoped3A_25[%rem3A_285] : memref<2x!tpu.dma_semaphore, #tpu.memory_space<semaphore_mem>> -> memref<1x!tpu.dma_semaphore, #tpu.memory_space<semaphore_mem>>
          %dma_wait3A_293 = tpu.memref_squeeze %dma_wait3A_292 : memref<1x!tpu.dma_semaphore, #tpu.memory_space<semaphore_mem>> -> memref<!tpu.dma_semaphore, #tpu.memory_space<semaphore_mem>>
          %dma_wait3A_294 = arith.constant 0 : i32
          %dma_wait3A_295 = arith.constant 0 : i32
          %dma_wait3A_296 = tpu.memref_slice %run_scoped3A[%rem3A_285, %dma_wait3A_294, %dma_wait3A_295] : memref<2x1x128xi32, #tpu.memory_space<vmem>> -> memref<1x1x128xi32, #tpu.memory_space<vmem>>
          %dma_wait3A_297 = tpu.memref_squeeze %dma_wait3A_296 : memref<1x1x128xi32, #tpu.memory_space<vmem>> -> memref<1x128xi32, #tpu.memory_space<vmem>>
          %dma_wait3A_298 = arith.constant 0 : i32
          %dma_wait3A_299 = tpu.memref_slice %arg2[%dma_wait3A_298, %mul3A_283] : memref<1x16384xi32, #tpu.memory_space<hbm>> -> memref<1x128xi32, #tpu.memory_space<hbm>>
          tpu.wait_dma2 semaphore(%dma_wait3A_293 : memref<!tpu.dma_semaphore, #tpu.memory_space<semaphore_mem>>) src(%dma_wait3A_299 : memref<1x128xi32, #tpu.memory_space<hbm>>) dst(%dma_wait3A_297 : memref<1x128xi32, #tpu.memory_space<vmem>>)
          "tpu.trace_stop"() : () -> ()
        } else {
        }
        %ne3A_203 = arith.cmpi ne, %add3A_149, %add3A_158 : i32
        %or3A_204 = arith.constant false
        %or3A_205 = arith.ori %or3A_204, %ne3A_203 : i1
        %or3A_206 = arith.constant false
        %or3A_207 = arith.ori %or3A_205, %or3A_206 : i1
        %or3A_208 = arith.ori %or3A_207, %eq3A_146 : i1
        %convert_element_type3A_209 = arith.extui %or3A_208 : i1 to i32
        %cond3A_210 = arith.constant 0 : i32
        %cond3A_211 = arith.cmpi ne, %convert_element_type3A_209, %cond3A_210 : i32
        scf.if %cond3A_211 {
        } else {
        }
        %rem3A_212 = arith.constant 2 : i32
        %rem3A_213 = arith.remui %scan3A_141, %rem3A_212 : i32
        %rem3A_214 = arith.constant 2 : i32
        %rem3A_215 = arith.remui %scan3A_142, %rem3A_214 : i32
        %run_scoped3A_216 = arith.constant 0 : i32
        "tpu.trace_start"() <{level = 10 : i32, message = "ep_run_kernel"}> : () -> ()
        "tpu.region"() ({
          %run_scoped3A_282 = tpu.sem_alloc : memref<!tpu.dma_semaphore, #tpu.memory_space<semaphore_mem>>
          %dma_start3A_283 = arith.constant 0 : i32
          %dma_start3A_284 = arith.constant 0 : i32
          %dma_start3A_285 = tpu.memref_slice %run_scoped3A_26[%rem3A_215, %dma_start3A_283, %dma_start3A_284] : memref<2x128x16xf32, #tpu.memory_space<vmem>> -> memref<1x128x16xf32, #tpu.memory_space<vmem>>
          %dma_start3A_286 = tpu.memref_squeeze %dma_start3A_285 : memref<1x128x16xf32, #tpu.memory_space<vmem>> -> memref<128x16xf32, #tpu.memory_space<vmem>>
          %dma_start3A_287 = arith.constant 0 : i32
          %dma_start3A_288 = arith.constant 0 : i32
          %dma_start3A_289 = tpu.memref_slice %run_scoped3A[%rem3A_213, %dma_start3A_287, %dma_start3A_288] : memref<2x1x128xi32, #tpu.memory_space<vmem>> -> memref<1x1x128xi32, #tpu.memory_space<vmem>>
          %dma_start3A_290 = tpu.memref_squeeze %dma_start3A_289 : memref<1x1x128xi32, #tpu.memory_space<vmem>> -> memref<1x128xi32, #tpu.memory_space<vmem>>
          %dma_start3A_291 = arith.constant 0 : i32
          %dma_start3A_292 = tpu.memref_slice %dma_start3A_290[%run_scoped3A_216, %dma_start3A_291] : memref<1x128xi32, #tpu.memory_space<vmem>> -> memref<1x128xi32, #tpu.memory_space<vmem>>
          %dma_start3A_293 = tpu.memref_squeeze %dma_start3A_292 : memref<1x128xi32, #tpu.memory_space<vmem>> -> memref<128xi32, #tpu.memory_space<vmem>>
          %dma_start3A_294 = arith.constant 0 : i32
          %dma_start3A_295 = arith.constant 0 : i32
          %dma_start3A_296 = tpu.memref_slice %arg5[%dma_start3A_294, %dma_start3A_295] : memref<1000000x16xf32, #tpu.memory_space<hbm>> -> memref<1000000x16xf32, #tpu.memory_space<hbm>>
          tpu.enqueue_indirect_dma source(%dma_start3A_296 : memref<1000000x16xf32, #tpu.memory_space<hbm>>) target(%dma_start3A_286 : memref<128x16xf32, #tpu.memory_space<vmem>>) offsets(%dma_start3A_293 : memref<128xi32, #tpu.memory_space<vmem>>) semaphore(%run_scoped3A_282 : memref<!tpu.dma_semaphore, #tpu.memory_space<semaphore_mem>>)
          %dma_wait3A_297 = arith.constant 0 : i32
          %dma_wait3A_298 = arith.constant 0 : i32
          %dma_wait3A_299 = tpu.memref_slice %run_scoped3A_26[%rem3A_215, %dma_wait3A_297, %dma_wait3A_298] : memref<2x128x16xf32, #tpu.memory_space<vmem>> -> memref<1x128x16xf32, #tpu.memory_space<vmem>>
          %dma_wait3A_300 = tpu.memref_squeeze %dma_wait3A_299 : memref<1x128x16xf32, #tpu.memory_space<vmem>> -> memref<128x16xf32, #tpu.memory_space<vmem>>
          %dma_wait3A_301 = arith.constant 0 : i32
          %dma_wait3A_302 = arith.constant 0 : i32
          %dma_wait3A_303 = tpu.memref_slice %run_scoped3A[%rem3A_213, %dma_wait3A_301, %dma_wait3A_302] : memref<2x1x128xi32, #tpu.memory_space<vmem>> -> memref<1x1x128xi32, #tpu.memory_space<vmem>>
          %dma_wait3A_304 = tpu.memref_squeeze %dma_wait3A_303 : memref<1x1x128xi32, #tpu.memory_space<vmem>> -> memref<1x128xi32, #tpu.memory_space<vmem>>
          %dma_wait3A_305 = arith.constant 0 : i32
          %dma_wait3A_306 = tpu.memref_slice %dma_wait3A_304[%run_scoped3A_216, %dma_wait3A_305] : memref<1x128xi32, #tpu.memory_space<vmem>> -> memref<1x128xi32, #tpu.memory_space<vmem>>
          %dma_wait3A_307 = tpu.memref_squeeze %dma_wait3A_306 : memref<1x128xi32, #tpu.memory_space<vmem>> -> memref<128xi32, #tpu.memory_space<vmem>>
          %dma_wait3A_308 = arith.constant 0 : i32
          %dma_wait3A_309 = arith.constant 0 : i32
          %dma_wait3A_310 = tpu.memref_slice %arg5[%dma_wait3A_308, %dma_wait3A_309] : memref<1000000x16xf32, #tpu.memory_space<hbm>> -> memref<1000000x16xf32, #tpu.memory_space<hbm>>
          tpu.wait_indirect_dma semaphore(%run_scoped3A_282 : memref<!tpu.dma_semaphore, #tpu.memory_space<semaphore_mem>>) src(%dma_wait3A_310 : memref<1000000x16xf32, #tpu.memory_space<hbm>>) dst(%dma_wait3A_300 : memref<128x16xf32, #tpu.memory_space<vmem>>)
          tpu.yield
        }) : () -> ()
        "tpu.trace_stop"() : () -> ()
        %ne3A_217 = arith.cmpi ne, %add3A_149, %add3A_167 : i32
        %or3A_218 = arith.constant false
        %or3A_219 = arith.ori %or3A_218, %ne3A_217 : i1
        %or3A_220 = arith.ori %or3A_219, %eq3A_148 : i1
        %convert_element_type3A_221 = arith.extui %or3A_220 : i1 to i32
        %cond3A_222 = arith.constant 0 : i32
        %cond3A_223 = arith.cmpi ne, %convert_element_type3A_221, %cond3A_222 : i32
        scf.if %cond3A_223 {
        } else {
        }
        %and3A_224 = arith.constant false
        %and3A_225 = arith.andi %or3A_220, %and3A_224 : i1
        %ne3A_226 = arith.cmpi ne, %add3A_149, %add3A_167 : i32
        %or3A_227 = arith.constant false
        %or3A_228 = arith.ori %or3A_227, %ne3A_226 : i1
        %or3A_229 = arith.constant false
        %or3A_230 = arith.ori %or3A_228, %or3A_229 : i1
        %or3A_231 = arith.ori %or3A_230, %eq3A_148 : i1
        %convert_element_type3A_232 = arith.extui %or3A_231 : i1 to i32
        %cond3A_233 = arith.constant 0 : i32
        %cond3A_234 = arith.cmpi ne, %convert_element_type3A_232, %cond3A_233 : i32
        scf.if %cond3A_234 {
          "tpu.trace_start"() <{level = 10 : i32, message = "ep_copy_out"}> : () -> ()
          %rem3A_282 = arith.constant 2 : i32
          %rem3A_283 = arith.remui %scan3A_142, %rem3A_282 : i32
          %mul3A_284 = arith.constant 128 : i32
          %mul3A_285 = arith.muli %mul3A_284, %add3A_149 : i32
          %dma_start3A_286 = arith.constant 0 : i32
          %dma_start3A_287 = arith.constant 0 : i32
          %dma_start3A_288 = tpu.memref_slice %run_scoped3A_26[%rem3A_283, %dma_start3A_286, %dma_start3A_287] : memref<2x128x16xf32, #tpu.memory_space<vmem>> -> memref<1x128x16xf32, #tpu.memory_space<vmem>>
          %dma_start3A_289 = tpu.memref_squeeze %dma_start3A_288 : memref<1x128x16xf32, #tpu.memory_space<vmem>> -> memref<128x16xf32, #tpu.memory_space<vmem>>
          %dma_start3A_290 = arith.constant 0 : i32
          %dma_start3A_291 = tpu.memref_slice %arg8[%mul3A_285, %dma_start3A_290] : memref<16384x16xf32, #tpu.memory_space<hbm>> -> memref<128x16xf32, #tpu.memory_space<hbm>>
          %dma_start3A_292 = tpu.memref_slice %run_scoped3A_27[%rem3A_283] : memref<2x!tpu.dma_semaphore, #tpu.memory_space<semaphore_mem>> -> memref<1x!tpu.dma_semaphore, #tpu.memory_space<semaphore_mem>>
          %dma_start3A_293 = tpu.memref_squeeze %dma_start3A_292 : memref<1x!tpu.dma_semaphore, #tpu.memory_space<semaphore_mem>> -> memref<!tpu.dma_semaphore, #tpu.memory_space<semaphore_mem>>
          %dma_start3A_294 = arith.constant 0 : i32
          %dma_start3A_295 = tpu.memref_slice %arg8[%mul3A_285, %dma_start3A_294] : memref<16384x16xf32, #tpu.memory_space<hbm>> -> memref<128x16xf32, #tpu.memory_space<hbm>>
          %dma_start3A_296 = arith.constant 0 : i32
          %dma_start3A_297 = arith.constant 0 : i32
          %dma_start3A_298 = tpu.memref_slice %run_scoped3A_26[%rem3A_283, %dma_start3A_296, %dma_start3A_297] : memref<2x128x16xf32, #tpu.memory_space<vmem>> -> memref<1x128x16xf32, #tpu.memory_space<vmem>>
          %dma_start3A_299 = tpu.memref_squeeze %dma_start3A_298 : memref<1x128x16xf32, #tpu.memory_space<vmem>> -> memref<128x16xf32, #tpu.memory_space<vmem>>
          tpu.enqueue_dma source(%dma_start3A_299 : memref<128x16xf32, #tpu.memory_space<vmem>>) target(%dma_start3A_295 : memref<128x16xf32, #tpu.memory_space<hbm>>) target_semaphore(%dma_start3A_293 : memref<!tpu.dma_semaphore, #tpu.memory_space<semaphore_mem>>)
          "tpu.trace_stop"() : () -> ()
        } else {
        }
        %and3A_235 = arith.constant true
        %and3A_236 = arith.andi %or3A_231, %and3A_235 : i1
        %add3A_237 = arith.constant 1 : i32
        %add3A_238 = arith.addi %scan3A_142, %add3A_237 : i32
        %select_n3A_239 = arith.select %and3A_236, %add3A_238, %scan3A_142 : i32
        %ne3A_240 = arith.cmpi ne, %add3A_149, %add3A_158 : i32
        %or3A_241 = arith.constant false
        %or3A_242 = arith.ori %or3A_241, %ne3A_240 : i1
        %not3A_243 = arith.constant true
        %not3A_244 = arith.xori %eq3A_146, %not3A_243 : i1
        %and3A_245 = arith.andi %or3A_242, %not3A_244 : i1
        %convert_element_type3A_246 = arith.extui %and3A_245 : i1 to i32
        %cond3A_247 = arith.constant 0 : i32
        %cond3A_248 = arith.cmpi ne, %convert_element_type3A_246, %cond3A_247 : i32
        scf.if %cond3A_248 {
        } else {
        }
        %and3A_249 = arith.constant false
        %and3A_250 = arith.andi %and3A_245, %and3A_249 : i1
        %ne3A_251 = arith.cmpi ne, %add3A_149, %add3A_158 : i32
        %or3A_252 = arith.constant false
        %or3A_253 = arith.ori %or3A_252, %ne3A_251 : i1
        %or3A_254 = arith.constant false
        %or3A_255 = arith.ori %or3A_253, %or3A_254 : i1
        %not3A_256 = arith.constant true
        %not3A_257 = arith.xori %eq3A_146, %not3A_256 : i1
        %and3A_258 = arith.andi %or3A_255, %not3A_257 : i1
        %convert_element_type3A_259 = arith.extui %and3A_258 : i1 to i32
        %cond3A_260 = arith.constant 0 : i32
        %cond3A_261 = arith.cmpi ne, %convert_element_type3A_259, %cond3A_260 : i32
        scf.if %cond3A_261 {
          "tpu.trace_start"() <{level = 10 : i32, message = "ep_wait_out"}> : () -> ()
          %rem3A_282 = arith.constant 2 : i32
          %rem3A_283 = arith.remui %scan3A_143, %rem3A_282 : i32
          %mul3A_284 = arith.constant 128 : i32
          %mul3A_285 = arith.muli %mul3A_284, %add3A_158 : i32
          %dma_wait3A_286 = arith.constant 0 : i32
          %dma_wait3A_287 = arith.constant 0 : i32
          %dma_wait3A_288 = tpu.memref_slice %run_scoped3A_26[%rem3A_283, %dma_wait3A_286, %dma_wait3A_287] : memref<2x128x16xf32, #tpu.memory_space<vmem>> -> memref<1x128x16xf32, #tpu.memory_space<vmem>>
          %dma_wait3A_289 = tpu.memref_squeeze %dma_wait3A_288 : memref<1x128x16xf32, #tpu.memory_space<vmem>> -> memref<128x16xf32, #tpu.memory_space<vmem>>
          %dma_wait3A_290 = arith.constant 0 : i32
          %dma_wait3A_291 = tpu.memref_slice %arg8[%mul3A_285, %dma_wait3A_290] : memref<16384x16xf32, #tpu.memory_space<hbm>> -> memref<128x16xf32, #tpu.memory_space<hbm>>
          %dma_wait3A_292 = tpu.memref_slice %run_scoped3A_27[%rem3A_283] : memref<2x!tpu.dma_semaphore, #tpu.memory_space<semaphore_mem>> -> memref<1x!tpu.dma_semaphore, #tpu.memory_space<semaphore_mem>>
          %dma_wait3A_293 = tpu.memref_squeeze %dma_wait3A_292 : memref<1x!tpu.dma_semaphore, #tpu.memory_space<semaphore_mem>> -> memref<!tpu.dma_semaphore, #tpu.memory_space<semaphore_mem>>
          %dma_wait3A_294 = arith.constant 0 : i32
          %dma_wait3A_295 = tpu.memref_slice %arg8[%mul3A_285, %dma_wait3A_294] : memref<16384x16xf32, #tpu.memory_space<hbm>> -> memref<128x16xf32, #tpu.memory_space<hbm>>
          %dma_wait3A_296 = arith.constant 0 : i32
          %dma_wait3A_297 = arith.constant 0 : i32
          %dma_wait3A_298 = tpu.memref_slice %run_scoped3A_26[%rem3A_283, %dma_wait3A_296, %dma_wait3A_297] : memref<2x128x16xf32, #tpu.memory_space<vmem>> -> memref<1x128x16xf32, #tpu.memory_space<vmem>>
          %dma_wait3A_299 = tpu.memref_squeeze %dma_wait3A_298 : memref<1x128x16xf32, #tpu.memory_space<vmem>> -> memref<128x16xf32, #tpu.memory_space<vmem>>
          tpu.wait_dma2 semaphore(%dma_wait3A_293 : memref<!tpu.dma_semaphore, #tpu.memory_space<semaphore_mem>>) src(%dma_wait3A_299 : memref<128x16xf32, #tpu.memory_space<vmem>>) dst(%dma_wait3A_295 : memref<128x16xf32, #tpu.memory_space<hbm>>)
          "tpu.trace_stop"() : () -> ()
        } else {
        }
        %and3A_262 = arith.constant true
        %and3A_263 = arith.andi %and3A_258, %and3A_262 : i1
        %add3A_264 = arith.constant 1 : i32
        %add3A_265 = arith.addi %scan3A_143, %add3A_264 : i32
        %select_n3A_266 = arith.select %and3A_263, %add3A_265, %scan3A_143 : i32
        %ne3A_267 = arith.cmpi ne, %add3A_149, %add3A_167 : i32
        %or3A_268 = arith.constant false
        %or3A_269 = arith.ori %or3A_268, %ne3A_267 : i1
        %or3A_270 = arith.ori %or3A_269, %eq3A_148 : i1
        %add3A_271 = arith.constant 1 : i32
        %add3A_272 = arith.addi %scan3A_141, %add3A_271 : i32
        %select_n3A_273 = arith.select %or3A_270, %add3A_272, %scan3A_141 : i32
        %add3A_274 = arith.constant 1 : i32
        %add3A_275 = arith.addi %scan3A_144, %add3A_274 : i32
        %select_n3A_276 = arith.constant true
        %select_n3A_277 = arith.select %select_n3A_276, %add3A_275, %scan3A_144 : i32
        %eq3A_278 = arith.constant 4 : i32
        %eq3A_279 = arith.cmpi eq, %select_n3A_277, %eq3A_278 : i32
        %select_n3A_280 = arith.constant 0 : i32
        %select_n3A_281 = arith.select %eq3A_279, %select_n3A_280, %select_n3A_277 : i32
        scf.yield %select_n3A_185, %select_n3A_273, %select_n3A_239, %select_n3A_266, %select_n3A_281 : i32, i32, i32, i32, i32
      }
      %scan3A_86 = arith.constant 4 : i32
      %sub3A = arith.constant 1 : i32
      %sub3A_87 = arith.subi %scan3A_85#4, %sub3A : i32
      %select_n3A_88 = arith.constant true
      %select_n3A_89 = arith.select %select_n3A_88, %sub3A_87, %scan3A_85#4 : i32
      %eq3A_90 = arith.constant -1 : i32
      %eq3A_91 = arith.cmpi eq, %select_n3A_89, %eq3A_90 : i32
      %select_n3A_92 = arith.constant 3 : i32
      %select_n3A_93 = arith.select %eq3A_91, %select_n3A_92, %select_n3A_89 : i32
      %add3A_94 = arith.addi %select_n3A_93, %mul3A_6 : i32
      %sub3A_95 = arith.constant 1 : i32
      %sub3A_96 = arith.subi %select_n3A_93, %sub3A_95 : i32
      %select_n3A_97 = arith.constant true
      %select_n3A_98 = arith.select %select_n3A_97, %sub3A_96, %select_n3A_93 : i32
      %eq3A_99 = arith.constant -1 : i32
      %eq3A_100 = arith.cmpi eq, %select_n3A_98, %eq3A_99 : i32
      %select_n3A_101 = arith.constant 3 : i32
      %select_n3A_102 = arith.select %eq3A_100, %select_n3A_101, %select_n3A_98 : i32
      %add3A_103 = arith.addi %select_n3A_102, %mul3A_6 : i32
      %add3A_104 = arith.constant 1 : i32
      %add3A_105 = arith.addi %select_n3A_93, %add3A_104 : i32
      %select_n3A_106 = arith.constant true
      %select_n3A_107 = arith.select %select_n3A_106, %add3A_105, %select_n3A_93 : i32
      %eq3A_108 = arith.constant 4 : i32
      %eq3A_109 = arith.cmpi eq, %select_n3A_107, %eq3A_108 : i32
      %select_n3A_110 = arith.constant 0 : i32
      %select_n3A_111 = arith.select %eq3A_109, %select_n3A_110, %select_n3A_107 : i32
      %add3A_112 = arith.addi %select_n3A_111, %mul3A_6 : i32
      %add3A_113 = arith.constant 1 : i32
      %add3A_114 = arith.addi %select_n3A_111, %add3A_113 : i32
      %select_n3A_115 = arith.constant true
      %select_n3A_116 = arith.select %select_n3A_115, %add3A_114, %select_n3A_111 : i32
      %eq3A_117 = arith.constant 4 : i32
      %eq3A_118 = arith.cmpi eq, %select_n3A_116, %eq3A_117 : i32
      %select_n3A_119 = arith.constant 0 : i32
      %select_n3A_120 = arith.select %eq3A_118, %select_n3A_119, %select_n3A_116 : i32
      %add3A_121 = arith.addi %select_n3A_120, %mul3A_6 : i32
      "tpu.trace_start"() <{level = 10 : i32, message = "ep_finalize"}> : () -> ()
      %rem3A_122 = arith.constant 2 : i32
      %rem3A_123 = arith.remui %scan3A_85#3, %rem3A_122 : i32
      %mul3A_124 = arith.constant 128 : i32
      %mul3A_125 = arith.muli %mul3A_124, %add3A_94 : i32
      %dma_wait3A = arith.constant 0 : i32
      %dma_wait3A_126 = arith.constant 0 : i32
      %dma_wait3A_127 = tpu.memref_slice %run_scoped3A_26[%rem3A_123, %dma_wait3A, %dma_wait3A_126] : memref<2x128x16xf32, #tpu.memory_space<vmem>> -> memref<1x128x16xf32, #tpu.memory_space<vmem>>
      %dma_wait3A_128 = tpu.memref_squeeze %dma_wait3A_127 : memref<1x128x16xf32, #tpu.memory_space<vmem>> -> memref<128x16xf32, #tpu.memory_space<vmem>>
      %dma_wait3A_129 = arith.constant 0 : i32
      %dma_wait3A_130 = tpu.memref_slice %arg8[%mul3A_125, %dma_wait3A_129] : memref<16384x16xf32, #tpu.memory_space<hbm>> -> memref<128x16xf32, #tpu.memory_space<hbm>>
      %dma_wait3A_131 = tpu.memref_slice %run_scoped3A_27[%rem3A_123] : memref<2x!tpu.dma_semaphore, #tpu.memory_space<semaphore_mem>> -> memref<1x!tpu.dma_semaphore, #tpu.memory_space<semaphore_mem>>
      %dma_wait3A_132 = tpu.memref_squeeze %dma_wait3A_131 : memref<1x!tpu.dma_semaphore, #tpu.memory_space<semaphore_mem>> -> memref<!tpu.dma_semaphore, #tpu.memory_space<semaphore_mem>>
      %dma_wait3A_133 = arith.constant 0 : i32
      %dma_wait3A_134 = tpu.memref_slice %arg8[%mul3A_125, %dma_wait3A_133] : memref<16384x16xf32, #tpu.memory_space<hbm>> -> memref<128x16xf32, #tpu.memory_space<hbm>>
      %dma_wait3A_135 = arith.constant 0 : i32
      %dma_wait3A_136 = arith.constant 0 : i32
      %dma_wait3A_137 = tpu.memref_slice %run_scoped3A_26[%rem3A_123, %dma_wait3A_135, %dma_wait3A_136] : memref<2x128x16xf32, #tpu.memory_space<vmem>> -> memref<1x128x16xf32, #tpu.memory_space<vmem>>
      %dma_wait3A_138 = tpu.memref_squeeze %dma_wait3A_137 : memref<1x128x16xf32, #tpu.memory_space<vmem>> -> memref<128x16xf32, #tpu.memory_space<vmem>>
      tpu.wait_dma2 semaphore(%dma_wait3A_132 : memref<!tpu.dma_semaphore, #tpu.memory_space<semaphore_mem>>) src(%dma_wait3A_138 : memref<128x16xf32, #tpu.memory_space<vmem>>) dst(%dma_wait3A_134 : memref<128x16xf32, #tpu.memory_space<hbm>>)
      "tpu.trace_stop"() : () -> ()
      tpu.yield
    }) : () -> ()
    %mul3A_7 = arith.constant 1 : i32
    %mul3A_8 = arith.muli %arg1, %mul3A_7 : i32
    %add3A_9 = arith.constant 0 : i32
    %add3A_10 = arith.addi %add3A_9, %mul3A_8 : i32
    %mul3A_11 = arith.constant 16 : i32
    %mul3A_12 = arith.muli %arg0, %mul3A_11 : i32
    %add3A_13 = arith.addi %add3A_10, %mul3A_12 : i32
    %mul3A_14 = arith.constant 4 : i32
    %mul3A_15 = arith.muli %add3A_13, %mul3A_14 : i32
    "tpu.region"() ({
      %run_scoped3A = memref.alloca() : memref<2x1x128xi32, #tpu.memory_space<vmem>>
      %run_scoped3A_25 = tpu.sem_alloc : memref<2x!tpu.dma_semaphore, #tpu.memory_space<semaphore_mem>>
      %run_scoped3A_26 = memref.alloca() : memref<2x128x16xf32, #tpu.memory_space<vmem>>
      %run_scoped3A_27 = tpu.sem_alloc : memref<2x!tpu.dma_semaphore, #tpu.memory_space<semaphore_mem>>
      %add3A_28 = arith.constant 0 : i32
      %add3A_29 = arith.addi %add3A_28, %mul3A_15 : i32
      %select_n3A = arith.constant true
      %select_n3A_30 = arith.constant 0 : i32
      %select_n3A_31 = arith.constant -1 : i32
      %select_n3A_32 = arith.select %select_n3A, %select_n3A_31, %select_n3A_30 : i32
      %eq3A = arith.constant -1 : i32
      %eq3A_33 = arith.cmpi eq, %select_n3A_32, %eq3A : i32
      %select_n3A_34 = arith.constant 3 : i32
      %select_n3A_35 = arith.select %eq3A_33, %select_n3A_34, %select_n3A_32 : i32
      %add3A_36 = arith.addi %select_n3A_35, %mul3A_15 : i32
      %select_n3A_37 = arith.constant true
      %select_n3A_38 = arith.constant 0 : i32
      %select_n3A_39 = arith.constant 1 : i32
      %select_n3A_40 = arith.select %select_n3A_37, %select_n3A_39, %select_n3A_38 : i32
      %eq3A_41 = arith.constant 4 : i32
      %eq3A_42 = arith.cmpi eq, %select_n3A_40, %eq3A_41 : i32
      %select_n3A_43 = arith.constant 0 : i32
      %select_n3A_44 = arith.select %eq3A_42, %select_n3A_43, %select_n3A_40 : i32
      %add3A_45 = arith.addi %select_n3A_44, %mul3A_15 : i32
      %add3A_46 = arith.constant 1 : i32
      %add3A_47 = arith.addi %select_n3A_44, %add3A_46 : i32
      %select_n3A_48 = arith.constant true
      %select_n3A_49 = arith.select %select_n3A_48, %add3A_47, %select_n3A_44 : i32
      %eq3A_50 = arith.constant 4 : i32
      %eq3A_51 = arith.cmpi eq, %select_n3A_49, %eq3A_50 : i32
      %select_n3A_52 = arith.constant 0 : i32
      %select_n3A_53 = arith.select %eq3A_51, %select_n3A_52, %select_n3A_49 : i32
      %add3A_54 = arith.addi %select_n3A_53, %mul3A_15 : i32
      "tpu.trace_start"() <{level = 10 : i32, message = "ep_initialize_0"}> : () -> ()
      %rem3A = arith.constant 0 : i32
      %rem3A_55 = arith.constant 2 : i32
      %rem3A_56 = arith.remui %rem3A, %rem3A_55 : i32
      %mul3A_57 = arith.constant 128 : i32
      %mul3A_58 = arith.muli %mul3A_57, %add3A_29 : i32
      %dma_start3A = arith.constant 0 : i32
      %dma_start3A_59 = arith.constant 0 : i32
      %dma_start3A_60 = tpu.memref_slice %run_scoped3A[%rem3A_56, %dma_start3A, %dma_start3A_59] : memref<2x1x128xi32, #tpu.memory_space<vmem>> -> memref<1x1x128xi32, #tpu.memory_space<vmem>>
      %dma_start3A_61 = tpu.memref_squeeze %dma_start3A_60 : memref<1x1x128xi32, #tpu.memory_space<vmem>> -> memref<1x128xi32, #tpu.memory_space<vmem>>
      %dma_start3A_62 = arith.constant 0 : i32
      %dma_start3A_63 = tpu.memref_slice %arg3[%dma_start3A_62, %mul3A_58] : memref<1x16384xi32, #tpu.memory_space<hbm>> -> memref<1x128xi32, #tpu.memory_space<hbm>>
      %dma_start3A_64 = tpu.memref_slice %run_scoped3A_25[%rem3A_56] : memref<2x!tpu.dma_semaphore, #tpu.memory_space<semaphore_mem>> -> memref<1x!tpu.dma_semaphore, #tpu.memory_space<semaphore_mem>>
      %dma_start3A_65 = tpu.memref_squeeze %dma_start3A_64 : memref<1x!tpu.dma_semaphore, #tpu.memory_space<semaphore_mem>> -> memref<!tpu.dma_semaphore, #tpu.memory_space<semaphore_mem>>
      %dma_start3A_66 = arith.constant 0 : i32
      %dma_start3A_67 = arith.constant 0 : i32
      %dma_start3A_68 = tpu.memref_slice %run_scoped3A[%rem3A_56, %dma_start3A_66, %dma_start3A_67] : memref<2x1x128xi32, #tpu.memory_space<vmem>> -> memref<1x1x128xi32, #tpu.memory_space<vmem>>
      %dma_start3A_69 = tpu.memref_squeeze %dma_start3A_68 : memref<1x1x128xi32, #tpu.memory_space<vmem>> -> memref<1x128xi32, #tpu.memory_space<vmem>>
      %dma_start3A_70 = arith.constant 0 : i32
      %dma_start3A_71 = tpu.memref_slice %arg3[%dma_start3A_70, %mul3A_58] : memref<1x16384xi32, #tpu.memory_space<hbm>> -> memref<1x128xi32, #tpu.memory_space<hbm>>
      tpu.enqueue_dma source(%dma_start3A_71 : memref<1x128xi32, #tpu.memory_space<hbm>>) target(%dma_start3A_69 : memref<1x128xi32, #tpu.memory_space<vmem>>) target_semaphore(%dma_start3A_65 : memref<!tpu.dma_semaphore, #tpu.memory_space<semaphore_mem>>)
      %add3A_72 = arith.constant 0 : i32
      %add3A_73 = arith.constant 1 : i32
      %add3A_74 = arith.addi %add3A_72, %add3A_73 : i32
      %select_n3A_75 = arith.constant true
      %select_n3A_76 = arith.constant 0 : i32
      %select_n3A_77 = arith.select %select_n3A_75, %add3A_74, %select_n3A_76 : i32
      "tpu.trace_stop"() : () -> ()
      %scan3A = arith.constant 0 : i32
      %scan3A_78 = arith.constant 0 : i32
      %scan3A_79 = arith.constant 0 : i32
      %scan3A_80 = arith.constant 0 : i32
      %scan3A_81 = arith.constant 0 : i32
      %scan3A_82 = arith.constant 4 : i32
      %scan3A_83 = arith.addi %scan3A_81, %scan3A_82 : i32
      %scan3A_84 = arith.constant 1 : i32
      %scan3A_85:5 = scf.for %scan3A_139 = %scan3A_81 to %scan3A_83 step %scan3A_84 iter_args(%scan3A_140 = %select_n3A_77, %scan3A_141 = %scan3A, %scan3A_142 = %scan3A_78, %scan3A_143 = %scan3A_79, %scan3A_144 = %scan3A_80) -> (i32, i32, i32, i32, i32)  : i32 {
        %eq3A_145 = arith.constant 0 : i32
        %eq3A_146 = arith.cmpi eq, %scan3A_139, %eq3A_145 : i32
        %eq3A_147 = arith.constant 3 : i32
        %eq3A_148 = arith.cmpi eq, %scan3A_139, %eq3A_147 : i32
        %add3A_149 = arith.addi %scan3A_144, %mul3A_15 : i32
        %sub3A_150 = arith.constant 1 : i32
        %sub3A_151 = arith.subi %scan3A_144, %sub3A_150 : i32
        %select_n3A_152 = arith.constant true
        %select_n3A_153 = arith.select %select_n3A_152, %sub3A_151, %scan3A_144 : i32
        %eq3A_154 = arith.constant -1 : i32
        %eq3A_155 = arith.cmpi eq, %select_n3A_153, %eq3A_154 : i32
        %select_n3A_156 = arith.constant 3 : i32
        %select_n3A_157 = arith.select %eq3A_155, %select_n3A_156, %select_n3A_153 : i32
        %add3A_158 = arith.addi %select_n3A_157, %mul3A_15 : i32
        %add3A_159 = arith.constant 1 : i32
        %add3A_160 = arith.addi %scan3A_144, %add3A_159 : i32
        %select_n3A_161 = arith.constant true
        %select_n3A_162 = arith.select %select_n3A_161, %add3A_160, %scan3A_144 : i32
        %eq3A_163 = arith.constant 4 : i32
        %eq3A_164 = arith.cmpi eq, %select_n3A_162, %eq3A_163 : i32
        %select_n3A_165 = arith.constant 0 : i32
        %select_n3A_166 = arith.select %eq3A_164, %select_n3A_165, %select_n3A_162 : i32
        %add3A_167 = arith.addi %select_n3A_166, %mul3A_15 : i32
        %add3A_168 = arith.constant 1 : i32
        %add3A_169 = arith.addi %select_n3A_166, %add3A_168 : i32
        %select_n3A_170 = arith.constant true
        %select_n3A_171 = arith.select %select_n3A_170, %add3A_169, %select_n3A_166 : i32
        %eq3A_172 = arith.constant 4 : i32
        %eq3A_173 = arith.cmpi eq, %select_n3A_171, %eq3A_172 : i32
        %select_n3A_174 = arith.constant 0 : i32
        %select_n3A_175 = arith.select %eq3A_173, %select_n3A_174, %select_n3A_171 : i32
        %add3A_176 = arith.addi %select_n3A_175, %mul3A_15 : i32
        %ne3A = arith.cmpi ne, %add3A_149, %add3A_167 : i32
        %or3A = arith.constant false
        %or3A_177 = arith.ori %or3A, %ne3A : i1
        %ge3A = arith.constant 3 : i32
        %ge3A_178 = arith.cmpi sge, %scan3A_139, %ge3A : i32
        %not3A = arith.constant true
        %not3A_179 = arith.xori %ge3A_178, %not3A : i1
        %and3A = arith.andi %or3A_177, %not3A_179 : i1
        %convert_element_type3A = arith.extui %and3A : i1 to i32
        %cond3A = arith.constant 0 : i32
        %cond3A_180 = arith.cmpi ne, %convert_element_type3A, %cond3A : i32
        scf.if %cond3A_180 {
          "tpu.trace_start"() <{level = 10 : i32, message = "ep_copy_in"}> : () -> ()
          %rem3A_282 = arith.constant 2 : i32
          %rem3A_283 = arith.remui %scan3A_140, %rem3A_282 : i32
          %mul3A_284 = arith.constant 128 : i32
          %mul3A_285 = arith.muli %mul3A_284, %add3A_167 : i32
          %dma_start3A_286 = arith.constant 0 : i32
          %dma_start3A_287 = arith.constant 0 : i32
          %dma_start3A_288 = tpu.memref_slice %run_scoped3A[%rem3A_283, %dma_start3A_286, %dma_start3A_287] : memref<2x1x128xi32, #tpu.memory_space<vmem>> -> memref<1x1x128xi32, #tpu.memory_space<vmem>>
          %dma_start3A_289 = tpu.memref_squeeze %dma_start3A_288 : memref<1x1x128xi32, #tpu.memory_space<vmem>> -> memref<1x128xi32, #tpu.memory_space<vmem>>
          %dma_start3A_290 = arith.constant 0 : i32
          %dma_start3A_291 = tpu.memref_slice %arg3[%dma_start3A_290, %mul3A_285] : memref<1x16384xi32, #tpu.memory_space<hbm>> -> memref<1x128xi32, #tpu.memory_space<hbm>>
          %dma_start3A_292 = tpu.memref_slice %run_scoped3A_25[%rem3A_283] : memref<2x!tpu.dma_semaphore, #tpu.memory_space<semaphore_mem>> -> memref<1x!tpu.dma_semaphore, #tpu.memory_space<semaphore_mem>>
          %dma_start3A_293 = tpu.memref_squeeze %dma_start3A_292 : memref<1x!tpu.dma_semaphore, #tpu.memory_space<semaphore_mem>> -> memref<!tpu.dma_semaphore, #tpu.memory_space<semaphore_mem>>
          %dma_start3A_294 = arith.constant 0 : i32
          %dma_start3A_295 = arith.constant 0 : i32
          %dma_start3A_296 = tpu.memref_slice %run_scoped3A[%rem3A_283, %dma_start3A_294, %dma_start3A_295] : memref<2x1x128xi32, #tpu.memory_space<vmem>> -> memref<1x1x128xi32, #tpu.memory_space<vmem>>
          %dma_start3A_297 = tpu.memref_squeeze %dma_start3A_296 : memref<1x1x128xi32, #tpu.memory_space<vmem>> -> memref<1x128xi32, #tpu.memory_space<vmem>>
          %dma_start3A_298 = arith.constant 0 : i32
          %dma_start3A_299 = tpu.memref_slice %arg3[%dma_start3A_298, %mul3A_285] : memref<1x16384xi32, #tpu.memory_space<hbm>> -> memref<1x128xi32, #tpu.memory_space<hbm>>
          tpu.enqueue_dma source(%dma_start3A_299 : memref<1x128xi32, #tpu.memory_space<hbm>>) target(%dma_start3A_297 : memref<1x128xi32, #tpu.memory_space<vmem>>) target_semaphore(%dma_start3A_293 : memref<!tpu.dma_semaphore, #tpu.memory_space<semaphore_mem>>)
          "tpu.trace_stop"() : () -> ()
        } else {
        }
        %and3A_181 = arith.constant true
        %and3A_182 = arith.andi %and3A, %and3A_181 : i1
        %add3A_183 = arith.constant 1 : i32
        %add3A_184 = arith.addi %scan3A_140, %add3A_183 : i32
        %select_n3A_185 = arith.select %and3A_182, %add3A_184, %scan3A_140 : i32
        %ne3A_186 = arith.cmpi ne, %add3A_149, %add3A_167 : i32
        %or3A_187 = arith.constant false
        %or3A_188 = arith.ori %or3A_187, %ne3A_186 : i1
        %or3A_189 = arith.constant false
        %or3A_190 = arith.ori %or3A_188, %or3A_189 : i1
        %ge3A_191 = arith.constant 3 : i32
        %ge3A_192 = arith.cmpi sge, %scan3A_139, %ge3A_191 : i32
        %not3A_193 = arith.constant true
        %not3A_194 = arith.xori %ge3A_192, %not3A_193 : i1
        %and3A_195 = arith.andi %or3A_190, %not3A_194 : i1
        %ne3A_196 = arith.cmpi ne, %add3A_149, %add3A_158 : i32
        %or3A_197 = arith.constant false
        %or3A_198 = arith.ori %or3A_197, %ne3A_196 : i1
        %or3A_199 = arith.ori %or3A_198, %eq3A_146 : i1
        %convert_element_type3A_200 = arith.extui %or3A_199 : i1 to i32
        %cond3A_201 = arith.constant 0 : i32
        %cond3A_202 = arith.cmpi ne, %convert_element_type3A_200, %cond3A_201 : i32
        scf.if %cond3A_202 {
          "tpu.trace_start"() <{level = 10 : i32, message = "ep_wait_in"}> : () -> ()
          %mul3A_282 = arith.constant 128 : i32
          %mul3A_283 = arith.muli %mul3A_282, %add3A_149 : i32
          %rem3A_284 = arith.constant 2 : i32
          %rem3A_285 = arith.remui %scan3A_141, %rem3A_284 : i32
          %dma_wait3A_286 = arith.constant 0 : i32
          %dma_wait3A_287 = arith.constant 0 : i32
          %dma_wait3A_288 = tpu.memref_slice %run_scoped3A[%rem3A_285, %dma_wait3A_286, %dma_wait3A_287] : memref<2x1x128xi32, #tpu.memory_space<vmem>> -> memref<1x1x128xi32, #tpu.memory_space<vmem>>
          %dma_wait3A_289 = tpu.memref_squeeze %dma_wait3A_288 : memref<1x1x128xi32, #tpu.memory_space<vmem>> -> memref<1x128xi32, #tpu.memory_space<vmem>>
          %dma_wait3A_290 = arith.constant 0 : i32
          %dma_wait3A_291 = tpu.memref_slice %arg3[%dma_wait3A_290, %mul3A_283] : memref<1x16384xi32, #tpu.memory_space<hbm>> -> memref<1x128xi32, #tpu.memory_space<hbm>>
          %dma_wait3A_292 = tpu.memref_slice %run_scoped3A_25[%rem3A_285] : memref<2x!tpu.dma_semaphore, #tpu.memory_space<semaphore_mem>> -> memref<1x!tpu.dma_semaphore, #tpu.memory_space<semaphore_mem>>
          %dma_wait3A_293 = tpu.memref_squeeze %dma_wait3A_292 : memref<1x!tpu.dma_semaphore, #tpu.memory_space<semaphore_mem>> -> memref<!tpu.dma_semaphore, #tpu.memory_space<semaphore_mem>>
          %dma_wait3A_294 = arith.constant 0 : i32
          %dma_wait3A_295 = arith.constant 0 : i32
          %dma_wait3A_296 = tpu.memref_slice %run_scoped3A[%rem3A_285, %dma_wait3A_294, %dma_wait3A_295] : memref<2x1x128xi32, #tpu.memory_space<vmem>> -> memref<1x1x128xi32, #tpu.memory_space<vmem>>
          %dma_wait3A_297 = tpu.memref_squeeze %dma_wait3A_296 : memref<1x1x128xi32, #tpu.memory_space<vmem>> -> memref<1x128xi32, #tpu.memory_space<vmem>>
          %dma_wait3A_298 = arith.constant 0 : i32
          %dma_wait3A_299 = tpu.memref_slice %arg3[%dma_wait3A_298, %mul3A_283] : memref<1x16384xi32, #tpu.memory_space<hbm>> -> memref<1x128xi32, #tpu.memory_space<hbm>>
          tpu.wait_dma2 semaphore(%dma_wait3A_293 : memref<!tpu.dma_semaphore, #tpu.memory_space<semaphore_mem>>) src(%dma_wait3A_299 : memref<1x128xi32, #tpu.memory_space<hbm>>) dst(%dma_wait3A_297 : memref<1x128xi32, #tpu.memory_space<vmem>>)
          "tpu.trace_stop"() : () -> ()
        } else {
        }
        %ne3A_203 = arith.cmpi ne, %add3A_149, %add3A_158 : i32
        %or3A_204 = arith.constant false
        %or3A_205 = arith.ori %or3A_204, %ne3A_203 : i1
        %or3A_206 = arith.constant false
        %or3A_207 = arith.ori %or3A_205, %or3A_206 : i1
        %or3A_208 = arith.ori %or3A_207, %eq3A_146 : i1
        %convert_element_type3A_209 = arith.extui %or3A_208 : i1 to i32
        %cond3A_210 = arith.constant 0 : i32
        %cond3A_211 = arith.cmpi ne, %convert_element_type3A_209, %cond3A_210 : i32
        scf.if %cond3A_211 {
        } else {
        }
        %rem3A_212 = arith.constant 2 : i32
        %rem3A_213 = arith.remui %scan3A_141, %rem3A_212 : i32
        %rem3A_214 = arith.constant 2 : i32
        %rem3A_215 = arith.remui %scan3A_142, %rem3A_214 : i32
        %run_scoped3A_216 = arith.constant 0 : i32
        "tpu.trace_start"() <{level = 10 : i32, message = "ep_run_kernel"}> : () -> ()
        "tpu.region"() ({
          %run_scoped3A_282 = tpu.sem_alloc : memref<!tpu.dma_semaphore, #tpu.memory_space<semaphore_mem>>
          %dma_start3A_283 = arith.constant 0 : i32
          %dma_start3A_284 = arith.constant 0 : i32
          %dma_start3A_285 = tpu.memref_slice %run_scoped3A_26[%rem3A_215, %dma_start3A_283, %dma_start3A_284] : memref<2x128x16xf32, #tpu.memory_space<vmem>> -> memref<1x128x16xf32, #tpu.memory_space<vmem>>
          %dma_start3A_286 = tpu.memref_squeeze %dma_start3A_285 : memref<1x128x16xf32, #tpu.memory_space<vmem>> -> memref<128x16xf32, #tpu.memory_space<vmem>>
          %dma_start3A_287 = arith.constant 0 : i32
          %dma_start3A_288 = arith.constant 0 : i32
          %dma_start3A_289 = tpu.memref_slice %run_scoped3A[%rem3A_213, %dma_start3A_287, %dma_start3A_288] : memref<2x1x128xi32, #tpu.memory_space<vmem>> -> memref<1x1x128xi32, #tpu.memory_space<vmem>>
          %dma_start3A_290 = tpu.memref_squeeze %dma_start3A_289 : memref<1x1x128xi32, #tpu.memory_space<vmem>> -> memref<1x128xi32, #tpu.memory_space<vmem>>
          %dma_start3A_291 = arith.constant 0 : i32
          %dma_start3A_292 = tpu.memref_slice %dma_start3A_290[%run_scoped3A_216, %dma_start3A_291] : memref<1x128xi32, #tpu.memory_space<vmem>> -> memref<1x128xi32, #tpu.memory_space<vmem>>
          %dma_start3A_293 = tpu.memref_squeeze %dma_start3A_292 : memref<1x128xi32, #tpu.memory_space<vmem>> -> memref<128xi32, #tpu.memory_space<vmem>>
          %dma_start3A_294 = arith.constant 0 : i32
          %dma_start3A_295 = arith.constant 0 : i32
          %dma_start3A_296 = tpu.memref_slice %arg6[%dma_start3A_294, %dma_start3A_295] : memref<100000x16xf32, #tpu.memory_space<hbm>> -> memref<100000x16xf32, #tpu.memory_space<hbm>>
          tpu.enqueue_indirect_dma source(%dma_start3A_296 : memref<100000x16xf32, #tpu.memory_space<hbm>>) target(%dma_start3A_286 : memref<128x16xf32, #tpu.memory_space<vmem>>) offsets(%dma_start3A_293 : memref<128xi32, #tpu.memory_space<vmem>>) semaphore(%run_scoped3A_282 : memref<!tpu.dma_semaphore, #tpu.memory_space<semaphore_mem>>)
          %dma_wait3A_297 = arith.constant 0 : i32
          %dma_wait3A_298 = arith.constant 0 : i32
          %dma_wait3A_299 = tpu.memref_slice %run_scoped3A_26[%rem3A_215, %dma_wait3A_297, %dma_wait3A_298] : memref<2x128x16xf32, #tpu.memory_space<vmem>> -> memref<1x128x16xf32, #tpu.memory_space<vmem>>
          %dma_wait3A_300 = tpu.memref_squeeze %dma_wait3A_299 : memref<1x128x16xf32, #tpu.memory_space<vmem>> -> memref<128x16xf32, #tpu.memory_space<vmem>>
          %dma_wait3A_301 = arith.constant 0 : i32
          %dma_wait3A_302 = arith.constant 0 : i32
          %dma_wait3A_303 = tpu.memref_slice %run_scoped3A[%rem3A_213, %dma_wait3A_301, %dma_wait3A_302] : memref<2x1x128xi32, #tpu.memory_space<vmem>> -> memref<1x1x128xi32, #tpu.memory_space<vmem>>
          %dma_wait3A_304 = tpu.memref_squeeze %dma_wait3A_303 : memref<1x1x128xi32, #tpu.memory_space<vmem>> -> memref<1x128xi32, #tpu.memory_space<vmem>>
          %dma_wait3A_305 = arith.constant 0 : i32
          %dma_wait3A_306 = tpu.memref_slice %dma_wait3A_304[%run_scoped3A_216, %dma_wait3A_305] : memref<1x128xi32, #tpu.memory_space<vmem>> -> memref<1x128xi32, #tpu.memory_space<vmem>>
          %dma_wait3A_307 = tpu.memref_squeeze %dma_wait3A_306 : memref<1x128xi32, #tpu.memory_space<vmem>> -> memref<128xi32, #tpu.memory_space<vmem>>
          %dma_wait3A_308 = arith.constant 0 : i32
          %dma_wait3A_309 = arith.constant 0 : i32
          %dma_wait3A_310 = tpu.memref_slice %arg6[%dma_wait3A_308, %dma_wait3A_309] : memref<100000x16xf32, #tpu.memory_space<hbm>> -> memref<100000x16xf32, #tpu.memory_space<hbm>>
          tpu.wait_indirect_dma semaphore(%run_scoped3A_282 : memref<!tpu.dma_semaphore, #tpu.memory_space<semaphore_mem>>) src(%dma_wait3A_310 : memref<100000x16xf32, #tpu.memory_space<hbm>>) dst(%dma_wait3A_300 : memref<128x16xf32, #tpu.memory_space<vmem>>)
          tpu.yield
        }) : () -> ()
        "tpu.trace_stop"() : () -> ()
        %ne3A_217 = arith.cmpi ne, %add3A_149, %add3A_167 : i32
        %or3A_218 = arith.constant false
        %or3A_219 = arith.ori %or3A_218, %ne3A_217 : i1
        %or3A_220 = arith.ori %or3A_219, %eq3A_148 : i1
        %convert_element_type3A_221 = arith.extui %or3A_220 : i1 to i32
        %cond3A_222 = arith.constant 0 : i32
        %cond3A_223 = arith.cmpi ne, %convert_element_type3A_221, %cond3A_222 : i32
        scf.if %cond3A_223 {
        } else {
        }
        %and3A_224 = arith.constant false
        %and3A_225 = arith.andi %or3A_220, %and3A_224 : i1
        %ne3A_226 = arith.cmpi ne, %add3A_149, %add3A_167 : i32
        %or3A_227 = arith.constant false
        %or3A_228 = arith.ori %or3A_227, %ne3A_226 : i1
        %or3A_229 = arith.constant false
        %or3A_230 = arith.ori %or3A_228, %or3A_229 : i1
        %or3A_231 = arith.ori %or3A_230, %eq3A_148 : i1
        %convert_element_type3A_232 = arith.extui %or3A_231 : i1 to i32
        %cond3A_233 = arith.constant 0 : i32
        %cond3A_234 = arith.cmpi ne, %convert_element_type3A_232, %cond3A_233 : i32
        scf.if %cond3A_234 {
          "tpu.trace_start"() <{level = 10 : i32, message = "ep_copy_out"}> : () -> ()
          %rem3A_282 = arith.constant 2 : i32
          %rem3A_283 = arith.remui %scan3A_142, %rem3A_282 : i32
          %mul3A_284 = arith.constant 128 : i32
          %mul3A_285 = arith.muli %mul3A_284, %add3A_149 : i32
          %dma_start3A_286 = arith.constant 0 : i32
          %dma_start3A_287 = arith.constant 0 : i32
          %dma_start3A_288 = tpu.memref_slice %run_scoped3A_26[%rem3A_283, %dma_start3A_286, %dma_start3A_287] : memref<2x128x16xf32, #tpu.memory_space<vmem>> -> memref<1x128x16xf32, #tpu.memory_space<vmem>>
          %dma_start3A_289 = tpu.memref_squeeze %dma_start3A_288 : memref<1x128x16xf32, #tpu.memory_space<vmem>> -> memref<128x16xf32, #tpu.memory_space<vmem>>
          %dma_start3A_290 = arith.constant 0 : i32
          %dma_start3A_291 = tpu.memref_slice %arg9[%mul3A_285, %dma_start3A_290] : memref<16384x16xf32, #tpu.memory_space<hbm>> -> memref<128x16xf32, #tpu.memory_space<hbm>>
          %dma_start3A_292 = tpu.memref_slice %run_scoped3A_27[%rem3A_283] : memref<2x!tpu.dma_semaphore, #tpu.memory_space<semaphore_mem>> -> memref<1x!tpu.dma_semaphore, #tpu.memory_space<semaphore_mem>>
          %dma_start3A_293 = tpu.memref_squeeze %dma_start3A_292 : memref<1x!tpu.dma_semaphore, #tpu.memory_space<semaphore_mem>> -> memref<!tpu.dma_semaphore, #tpu.memory_space<semaphore_mem>>
          %dma_start3A_294 = arith.constant 0 : i32
          %dma_start3A_295 = tpu.memref_slice %arg9[%mul3A_285, %dma_start3A_294] : memref<16384x16xf32, #tpu.memory_space<hbm>> -> memref<128x16xf32, #tpu.memory_space<hbm>>
          %dma_start3A_296 = arith.constant 0 : i32
          %dma_start3A_297 = arith.constant 0 : i32
          %dma_start3A_298 = tpu.memref_slice %run_scoped3A_26[%rem3A_283, %dma_start3A_296, %dma_start3A_297] : memref<2x128x16xf32, #tpu.memory_space<vmem>> -> memref<1x128x16xf32, #tpu.memory_space<vmem>>
          %dma_start3A_299 = tpu.memref_squeeze %dma_start3A_298 : memref<1x128x16xf32, #tpu.memory_space<vmem>> -> memref<128x16xf32, #tpu.memory_space<vmem>>
          tpu.enqueue_dma source(%dma_start3A_299 : memref<128x16xf32, #tpu.memory_space<vmem>>) target(%dma_start3A_295 : memref<128x16xf32, #tpu.memory_space<hbm>>) target_semaphore(%dma_start3A_293 : memref<!tpu.dma_semaphore, #tpu.memory_space<semaphore_mem>>)
          "tpu.trace_stop"() : () -> ()
        } else {
        }
        %and3A_235 = arith.constant true
        %and3A_236 = arith.andi %or3A_231, %and3A_235 : i1
        %add3A_237 = arith.constant 1 : i32
        %add3A_238 = arith.addi %scan3A_142, %add3A_237 : i32
        %select_n3A_239 = arith.select %and3A_236, %add3A_238, %scan3A_142 : i32
        %ne3A_240 = arith.cmpi ne, %add3A_149, %add3A_158 : i32
        %or3A_241 = arith.constant false
        %or3A_242 = arith.ori %or3A_241, %ne3A_240 : i1
        %not3A_243 = arith.constant true
        %not3A_244 = arith.xori %eq3A_146, %not3A_243 : i1
        %and3A_245 = arith.andi %or3A_242, %not3A_244 : i1
        %convert_element_type3A_246 = arith.extui %and3A_245 : i1 to i32
        %cond3A_247 = arith.constant 0 : i32
        %cond3A_248 = arith.cmpi ne, %convert_element_type3A_246, %cond3A_247 : i32
        scf.if %cond3A_248 {
        } else {
        }
        %and3A_249 = arith.constant false
        %and3A_250 = arith.andi %and3A_245, %and3A_249 : i1
        %ne3A_251 = arith.cmpi ne, %add3A_149, %add3A_158 : i32
        %or3A_252 = arith.constant false
        %or3A_253 = arith.ori %or3A_252, %ne3A_251 : i1
        %or3A_254 = arith.constant false
        %or3A_255 = arith.ori %or3A_253, %or3A_254 : i1
        %not3A_256 = arith.constant true
        %not3A_257 = arith.xori %eq3A_146, %not3A_256 : i1
        %and3A_258 = arith.andi %or3A_255, %not3A_257 : i1
        %convert_element_type3A_259 = arith.extui %and3A_258 : i1 to i32
        %cond3A_260 = arith.constant 0 : i32
        %cond3A_261 = arith.cmpi ne, %convert_element_type3A_259, %cond3A_260 : i32
        scf.if %cond3A_261 {
          "tpu.trace_start"() <{level = 10 : i32, message = "ep_wait_out"}> : () -> ()
          %rem3A_282 = arith.constant 2 : i32
          %rem3A_283 = arith.remui %scan3A_143, %rem3A_282 : i32
          %mul3A_284 = arith.constant 128 : i32
          %mul3A_285 = arith.muli %mul3A_284, %add3A_158 : i32
          %dma_wait3A_286 = arith.constant 0 : i32
          %dma_wait3A_287 = arith.constant 0 : i32
          %dma_wait3A_288 = tpu.memref_slice %run_scoped3A_26[%rem3A_283, %dma_wait3A_286, %dma_wait3A_287] : memref<2x128x16xf32, #tpu.memory_space<vmem>> -> memref<1x128x16xf32, #tpu.memory_space<vmem>>
          %dma_wait3A_289 = tpu.memref_squeeze %dma_wait3A_288 : memref<1x128x16xf32, #tpu.memory_space<vmem>> -> memref<128x16xf32, #tpu.memory_space<vmem>>
          %dma_wait3A_290 = arith.constant 0 : i32
          %dma_wait3A_291 = tpu.memref_slice %arg9[%mul3A_285, %dma_wait3A_290] : memref<16384x16xf32, #tpu.memory_space<hbm>> -> memref<128x16xf32, #tpu.memory_space<hbm>>
          %dma_wait3A_292 = tpu.memref_slice %run_scoped3A_27[%rem3A_283] : memref<2x!tpu.dma_semaphore, #tpu.memory_space<semaphore_mem>> -> memref<1x!tpu.dma_semaphore, #tpu.memory_space<semaphore_mem>>
          %dma_wait3A_293 = tpu.memref_squeeze %dma_wait3A_292 : memref<1x!tpu.dma_semaphore, #tpu.memory_space<semaphore_mem>> -> memref<!tpu.dma_semaphore, #tpu.memory_space<semaphore_mem>>
          %dma_wait3A_294 = arith.constant 0 : i32
          %dma_wait3A_295 = tpu.memref_slice %arg9[%mul3A_285, %dma_wait3A_294] : memref<16384x16xf32, #tpu.memory_space<hbm>> -> memref<128x16xf32, #tpu.memory_space<hbm>>
          %dma_wait3A_296 = arith.constant 0 : i32
          %dma_wait3A_297 = arith.constant 0 : i32
          %dma_wait3A_298 = tpu.memref_slice %run_scoped3A_26[%rem3A_283, %dma_wait3A_296, %dma_wait3A_297] : memref<2x128x16xf32, #tpu.memory_space<vmem>> -> memref<1x128x16xf32, #tpu.memory_space<vmem>>
          %dma_wait3A_299 = tpu.memref_squeeze %dma_wait3A_298 : memref<1x128x16xf32, #tpu.memory_space<vmem>> -> memref<128x16xf32, #tpu.memory_space<vmem>>
          tpu.wait_dma2 semaphore(%dma_wait3A_293 : memref<!tpu.dma_semaphore, #tpu.memory_space<semaphore_mem>>) src(%dma_wait3A_299 : memref<128x16xf32, #tpu.memory_space<vmem>>) dst(%dma_wait3A_295 : memref<128x16xf32, #tpu.memory_space<hbm>>)
          "tpu.trace_stop"() : () -> ()
        } else {
        }
        %and3A_262 = arith.constant true
        %and3A_263 = arith.andi %and3A_258, %and3A_262 : i1
        %add3A_264 = arith.constant 1 : i32
        %add3A_265 = arith.addi %scan3A_143, %add3A_264 : i32
        %select_n3A_266 = arith.select %and3A_263, %add3A_265, %scan3A_143 : i32
        %ne3A_267 = arith.cmpi ne, %add3A_149, %add3A_167 : i32
        %or3A_268 = arith.constant false
        %or3A_269 = arith.ori %or3A_268, %ne3A_267 : i1
        %or3A_270 = arith.ori %or3A_269, %eq3A_148 : i1
        %add3A_271 = arith.constant 1 : i32
        %add3A_272 = arith.addi %scan3A_141, %add3A_271 : i32
        %select_n3A_273 = arith.select %or3A_270, %add3A_272, %scan3A_141 : i32
        %add3A_274 = arith.constant 1 : i32
        %add3A_275 = arith.addi %scan3A_144, %add3A_274 : i32
        %select_n3A_276 = arith.constant true
        %select_n3A_277 = arith.select %select_n3A_276, %add3A_275, %scan3A_144 : i32
        %eq3A_278 = arith.constant 4 : i32
        %eq3A_279 = arith.cmpi eq, %select_n3A_277, %eq3A_278 : i32
        %select_n3A_280 = arith.constant 0 : i32
        %select_n3A_281 = arith.select %eq3A_279, %select_n3A_280, %select_n3A_277 : i32
        scf.yield %select_n3A_185, %select_n3A_273, %select_n3A_239, %select_n3A_266, %select_n3A_281 : i32, i32, i32, i32, i32
      }
      %scan3A_86 = arith.constant 4 : i32
      %sub3A = arith.constant 1 : i32
      %sub3A_87 = arith.subi %scan3A_85#4, %sub3A : i32
      %select_n3A_88 = arith.constant true
      %select_n3A_89 = arith.select %select_n3A_88, %sub3A_87, %scan3A_85#4 : i32
      %eq3A_90 = arith.constant -1 : i32
      %eq3A_91 = arith.cmpi eq, %select_n3A_89, %eq3A_90 : i32
      %select_n3A_92 = arith.constant 3 : i32
      %select_n3A_93 = arith.select %eq3A_91, %select_n3A_92, %select_n3A_89 : i32
      %add3A_94 = arith.addi %select_n3A_93, %mul3A_15 : i32
      %sub3A_95 = arith.constant 1 : i32
      %sub3A_96 = arith.subi %select_n3A_93, %sub3A_95 : i32
      %select_n3A_97 = arith.constant true
      %select_n3A_98 = arith.select %select_n3A_97, %sub3A_96, %select_n3A_93 : i32
      %eq3A_99 = arith.constant -1 : i32
      %eq3A_100 = arith.cmpi eq, %select_n3A_98, %eq3A_99 : i32
      %select_n3A_101 = arith.constant 3 : i32
      %select_n3A_102 = arith.select %eq3A_100, %select_n3A_101, %select_n3A_98 : i32
      %add3A_103 = arith.addi %select_n3A_102, %mul3A_15 : i32
      %add3A_104 = arith.constant 1 : i32
      %add3A_105 = arith.addi %select_n3A_93, %add3A_104 : i32
      %select_n3A_106 = arith.constant true
      %select_n3A_107 = arith.select %select_n3A_106, %add3A_105, %select_n3A_93 : i32
      %eq3A_108 = arith.constant 4 : i32
      %eq3A_109 = arith.cmpi eq, %select_n3A_107, %eq3A_108 : i32
      %select_n3A_110 = arith.constant 0 : i32
      %select_n3A_111 = arith.select %eq3A_109, %select_n3A_110, %select_n3A_107 : i32
      %add3A_112 = arith.addi %select_n3A_111, %mul3A_15 : i32
      %add3A_113 = arith.constant 1 : i32
      %add3A_114 = arith.addi %select_n3A_111, %add3A_113 : i32
      %select_n3A_115 = arith.constant true
      %select_n3A_116 = arith.select %select_n3A_115, %add3A_114, %select_n3A_111 : i32
      %eq3A_117 = arith.constant 4 : i32
      %eq3A_118 = arith.cmpi eq, %select_n3A_116, %eq3A_117 : i32
      %select_n3A_119 = arith.constant 0 : i32
      %select_n3A_120 = arith.select %eq3A_118, %select_n3A_119, %select_n3A_116 : i32
      %add3A_121 = arith.addi %select_n3A_120, %mul3A_15 : i32
      "tpu.trace_start"() <{level = 10 : i32, message = "ep_finalize"}> : () -> ()
      %rem3A_122 = arith.constant 2 : i32
      %rem3A_123 = arith.remui %scan3A_85#3, %rem3A_122 : i32
      %mul3A_124 = arith.constant 128 : i32
      %mul3A_125 = arith.muli %mul3A_124, %add3A_94 : i32
      %dma_wait3A = arith.constant 0 : i32
      %dma_wait3A_126 = arith.constant 0 : i32
      %dma_wait3A_127 = tpu.memref_slice %run_scoped3A_26[%rem3A_123, %dma_wait3A, %dma_wait3A_126] : memref<2x128x16xf32, #tpu.memory_space<vmem>> -> memref<1x128x16xf32, #tpu.memory_space<vmem>>
      %dma_wait3A_128 = tpu.memref_squeeze %dma_wait3A_127 : memref<1x128x16xf32, #tpu.memory_space<vmem>> -> memref<128x16xf32, #tpu.memory_space<vmem>>
      %dma_wait3A_129 = arith.constant 0 : i32
      %dma_wait3A_130 = tpu.memref_slice %arg9[%mul3A_125, %dma_wait3A_129] : memref<16384x16xf32, #tpu.memory_space<hbm>> -> memref<128x16xf32, #tpu.memory_space<hbm>>
      %dma_wait3A_131 = tpu.memref_slice %run_scoped3A_27[%rem3A_123] : memref<2x!tpu.dma_semaphore, #tpu.memory_space<semaphore_mem>> -> memref<1x!tpu.dma_semaphore, #tpu.memory_space<semaphore_mem>>
      %dma_wait3A_132 = tpu.memref_squeeze %dma_wait3A_131 : memref<1x!tpu.dma_semaphore, #tpu.memory_space<semaphore_mem>> -> memref<!tpu.dma_semaphore, #tpu.memory_space<semaphore_mem>>
      %dma_wait3A_133 = arith.constant 0 : i32
      %dma_wait3A_134 = tpu.memref_slice %arg9[%mul3A_125, %dma_wait3A_133] : memref<16384x16xf32, #tpu.memory_space<hbm>> -> memref<128x16xf32, #tpu.memory_space<hbm>>
      %dma_wait3A_135 = arith.constant 0 : i32
      %dma_wait3A_136 = arith.constant 0 : i32
      %dma_wait3A_137 = tpu.memref_slice %run_scoped3A_26[%rem3A_123, %dma_wait3A_135, %dma_wait3A_136] : memref<2x128x16xf32, #tpu.memory_space<vmem>> -> memref<1x128x16xf32, #tpu.memory_space<vmem>>
      %dma_wait3A_138 = tpu.memref_squeeze %dma_wait3A_137 : memref<1x128x16xf32, #tpu.memory_space<vmem>> -> memref<128x16xf32, #tpu.memory_space<vmem>>
      tpu.wait_dma2 semaphore(%dma_wait3A_132 : memref<!tpu.dma_semaphore, #tpu.memory_space<semaphore_mem>>) src(%dma_wait3A_138 : memref<128x16xf32, #tpu.memory_space<vmem>>) dst(%dma_wait3A_134 : memref<128x16xf32, #tpu.memory_space<hbm>>)
      "tpu.trace_stop"() : () -> ()
      tpu.yield
    }) : () -> ()
    %mul3A_16 = arith.constant 1 : i32
    %mul3A_17 = arith.muli %arg1, %mul3A_16 : i32
    %add3A_18 = arith.constant 0 : i32
    %add3A_19 = arith.addi %add3A_18, %mul3A_17 : i32
    %mul3A_20 = arith.constant 16 : i32
    %mul3A_21 = arith.muli %arg0, %mul3A_20 : i32
    %add3A_22 = arith.addi %add3A_19, %mul3A_21 : i32
    %mul3A_23 = arith.constant 4 : i32
    %mul3A_24 = arith.muli %add3A_22, %mul3A_23 : i32
    "tpu.region"() ({
      %run_scoped3A = memref.alloca() : memref<2x1x128xi32, #tpu.memory_space<vmem>>
      %run_scoped3A_25 = tpu.sem_alloc : memref<2x!tpu.dma_semaphore, #tpu.memory_space<semaphore_mem>>
      %run_scoped3A_26 = memref.alloca() : memref<2x128x16xf32, #tpu.memory_space<vmem>>
      %run_scoped3A_27 = tpu.sem_alloc : memref<2x!tpu.dma_semaphore, #tpu.memory_space<semaphore_mem>>
      %add3A_28 = arith.constant 0 : i32
      %add3A_29 = arith.addi %add3A_28, %mul3A_24 : i32
      %select_n3A = arith.constant true
      %select_n3A_30 = arith.constant 0 : i32
      %select_n3A_31 = arith.constant -1 : i32
      %select_n3A_32 = arith.select %select_n3A, %select_n3A_31, %select_n3A_30 : i32
      %eq3A = arith.constant -1 : i32
      %eq3A_33 = arith.cmpi eq, %select_n3A_32, %eq3A : i32
      %select_n3A_34 = arith.constant 3 : i32
      %select_n3A_35 = arith.select %eq3A_33, %select_n3A_34, %select_n3A_32 : i32
      %add3A_36 = arith.addi %select_n3A_35, %mul3A_24 : i32
      %select_n3A_37 = arith.constant true
      %select_n3A_38 = arith.constant 0 : i32
      %select_n3A_39 = arith.constant 1 : i32
      %select_n3A_40 = arith.select %select_n3A_37, %select_n3A_39, %select_n3A_38 : i32
      %eq3A_41 = arith.constant 4 : i32
      %eq3A_42 = arith.cmpi eq, %select_n3A_40, %eq3A_41 : i32
      %select_n3A_43 = arith.constant 0 : i32
      %select_n3A_44 = arith.select %eq3A_42, %select_n3A_43, %select_n3A_40 : i32
      %add3A_45 = arith.addi %select_n3A_44, %mul3A_24 : i32
      %add3A_46 = arith.constant 1 : i32
      %add3A_47 = arith.addi %select_n3A_44, %add3A_46 : i32
      %select_n3A_48 = arith.constant true
      %select_n3A_49 = arith.select %select_n3A_48, %add3A_47, %select_n3A_44 : i32
      %eq3A_50 = arith.constant 4 : i32
      %eq3A_51 = arith.cmpi eq, %select_n3A_49, %eq3A_50 : i32
      %select_n3A_52 = arith.constant 0 : i32
      %select_n3A_53 = arith.select %eq3A_51, %select_n3A_52, %select_n3A_49 : i32
      %add3A_54 = arith.addi %select_n3A_53, %mul3A_24 : i32
      "tpu.trace_start"() <{level = 10 : i32, message = "ep_initialize_0"}> : () -> ()
      %rem3A = arith.constant 0 : i32
      %rem3A_55 = arith.constant 2 : i32
      %rem3A_56 = arith.remui %rem3A, %rem3A_55 : i32
      %mul3A_57 = arith.constant 128 : i32
      %mul3A_58 = arith.muli %mul3A_57, %add3A_29 : i32
      %dma_start3A = arith.constant 0 : i32
      %dma_start3A_59 = arith.constant 0 : i32
      %dma_start3A_60 = tpu.memref_slice %run_scoped3A[%rem3A_56, %dma_start3A, %dma_start3A_59] : memref<2x1x128xi32, #tpu.memory_space<vmem>> -> memref<1x1x128xi32, #tpu.memory_space<vmem>>
      %dma_start3A_61 = tpu.memref_squeeze %dma_start3A_60 : memref<1x1x128xi32, #tpu.memory_space<vmem>> -> memref<1x128xi32, #tpu.memory_space<vmem>>
      %dma_start3A_62 = arith.constant 0 : i32
      %dma_start3A_63 = tpu.memref_slice %arg4[%dma_start3A_62, %mul3A_58] : memref<1x16384xi32, #tpu.memory_space<hbm>> -> memref<1x128xi32, #tpu.memory_space<hbm>>
      %dma_start3A_64 = tpu.memref_slice %run_scoped3A_25[%rem3A_56] : memref<2x!tpu.dma_semaphore, #tpu.memory_space<semaphore_mem>> -> memref<1x!tpu.dma_semaphore, #tpu.memory_space<semaphore_mem>>
      %dma_start3A_65 = tpu.memref_squeeze %dma_start3A_64 : memref<1x!tpu.dma_semaphore, #tpu.memory_space<semaphore_mem>> -> memref<!tpu.dma_semaphore, #tpu.memory_space<semaphore_mem>>
      %dma_start3A_66 = arith.constant 0 : i32
      %dma_start3A_67 = arith.constant 0 : i32
      %dma_start3A_68 = tpu.memref_slice %run_scoped3A[%rem3A_56, %dma_start3A_66, %dma_start3A_67] : memref<2x1x128xi32, #tpu.memory_space<vmem>> -> memref<1x1x128xi32, #tpu.memory_space<vmem>>
      %dma_start3A_69 = tpu.memref_squeeze %dma_start3A_68 : memref<1x1x128xi32, #tpu.memory_space<vmem>> -> memref<1x128xi32, #tpu.memory_space<vmem>>
      %dma_start3A_70 = arith.constant 0 : i32
      %dma_start3A_71 = tpu.memref_slice %arg4[%dma_start3A_70, %mul3A_58] : memref<1x16384xi32, #tpu.memory_space<hbm>> -> memref<1x128xi32, #tpu.memory_space<hbm>>
      tpu.enqueue_dma source(%dma_start3A_71 : memref<1x128xi32, #tpu.memory_space<hbm>>) target(%dma_start3A_69 : memref<1x128xi32, #tpu.memory_space<vmem>>) target_semaphore(%dma_start3A_65 : memref<!tpu.dma_semaphore, #tpu.memory_space<semaphore_mem>>)
      %add3A_72 = arith.constant 0 : i32
      %add3A_73 = arith.constant 1 : i32
      %add3A_74 = arith.addi %add3A_72, %add3A_73 : i32
      %select_n3A_75 = arith.constant true
      %select_n3A_76 = arith.constant 0 : i32
      %select_n3A_77 = arith.select %select_n3A_75, %add3A_74, %select_n3A_76 : i32
      "tpu.trace_stop"() : () -> ()
      %scan3A = arith.constant 0 : i32
      %scan3A_78 = arith.constant 0 : i32
      %scan3A_79 = arith.constant 0 : i32
      %scan3A_80 = arith.constant 0 : i32
      %scan3A_81 = arith.constant 0 : i32
      %scan3A_82 = arith.constant 4 : i32
      %scan3A_83 = arith.addi %scan3A_81, %scan3A_82 : i32
      %scan3A_84 = arith.constant 1 : i32
      %scan3A_85:5 = scf.for %scan3A_139 = %scan3A_81 to %scan3A_83 step %scan3A_84 iter_args(%scan3A_140 = %select_n3A_77, %scan3A_141 = %scan3A, %scan3A_142 = %scan3A_78, %scan3A_143 = %scan3A_79, %scan3A_144 = %scan3A_80) -> (i32, i32, i32, i32, i32)  : i32 {
        %eq3A_145 = arith.constant 0 : i32
        %eq3A_146 = arith.cmpi eq, %scan3A_139, %eq3A_145 : i32
        %eq3A_147 = arith.constant 3 : i32
        %eq3A_148 = arith.cmpi eq, %scan3A_139, %eq3A_147 : i32
        %add3A_149 = arith.addi %scan3A_144, %mul3A_24 : i32
        %sub3A_150 = arith.constant 1 : i32
        %sub3A_151 = arith.subi %scan3A_144, %sub3A_150 : i32
        %select_n3A_152 = arith.constant true
        %select_n3A_153 = arith.select %select_n3A_152, %sub3A_151, %scan3A_144 : i32
        %eq3A_154 = arith.constant -1 : i32
        %eq3A_155 = arith.cmpi eq, %select_n3A_153, %eq3A_154 : i32
        %select_n3A_156 = arith.constant 3 : i32
        %select_n3A_157 = arith.select %eq3A_155, %select_n3A_156, %select_n3A_153 : i32
        %add3A_158 = arith.addi %select_n3A_157, %mul3A_24 : i32
        %add3A_159 = arith.constant 1 : i32
        %add3A_160 = arith.addi %scan3A_144, %add3A_159 : i32
        %select_n3A_161 = arith.constant true
        %select_n3A_162 = arith.select %select_n3A_161, %add3A_160, %scan3A_144 : i32
        %eq3A_163 = arith.constant 4 : i32
        %eq3A_164 = arith.cmpi eq, %select_n3A_162, %eq3A_163 : i32
        %select_n3A_165 = arith.constant 0 : i32
        %select_n3A_166 = arith.select %eq3A_164, %select_n3A_165, %select_n3A_162 : i32
        %add3A_167 = arith.addi %select_n3A_166, %mul3A_24 : i32
        %add3A_168 = arith.constant 1 : i32
        %add3A_169 = arith.addi %select_n3A_166, %add3A_168 : i32
        %select_n3A_170 = arith.constant true
        %select_n3A_171 = arith.select %select_n3A_170, %add3A_169, %select_n3A_166 : i32
        %eq3A_172 = arith.constant 4 : i32
        %eq3A_173 = arith.cmpi eq, %select_n3A_171, %eq3A_172 : i32
        %select_n3A_174 = arith.constant 0 : i32
        %select_n3A_175 = arith.select %eq3A_173, %select_n3A_174, %select_n3A_171 : i32
        %add3A_176 = arith.addi %select_n3A_175, %mul3A_24 : i32
        %ne3A = arith.cmpi ne, %add3A_149, %add3A_167 : i32
        %or3A = arith.constant false
        %or3A_177 = arith.ori %or3A, %ne3A : i1
        %ge3A = arith.constant 3 : i32
        %ge3A_178 = arith.cmpi sge, %scan3A_139, %ge3A : i32
        %not3A = arith.constant true
        %not3A_179 = arith.xori %ge3A_178, %not3A : i1
        %and3A = arith.andi %or3A_177, %not3A_179 : i1
        %convert_element_type3A = arith.extui %and3A : i1 to i32
        %cond3A = arith.constant 0 : i32
        %cond3A_180 = arith.cmpi ne, %convert_element_type3A, %cond3A : i32
        scf.if %cond3A_180 {
          "tpu.trace_start"() <{level = 10 : i32, message = "ep_copy_in"}> : () -> ()
          %rem3A_282 = arith.constant 2 : i32
          %rem3A_283 = arith.remui %scan3A_140, %rem3A_282 : i32
          %mul3A_284 = arith.constant 128 : i32
          %mul3A_285 = arith.muli %mul3A_284, %add3A_167 : i32
          %dma_start3A_286 = arith.constant 0 : i32
          %dma_start3A_287 = arith.constant 0 : i32
          %dma_start3A_288 = tpu.memref_slice %run_scoped3A[%rem3A_283, %dma_start3A_286, %dma_start3A_287] : memref<2x1x128xi32, #tpu.memory_space<vmem>> -> memref<1x1x128xi32, #tpu.memory_space<vmem>>
          %dma_start3A_289 = tpu.memref_squeeze %dma_start3A_288 : memref<1x1x128xi32, #tpu.memory_space<vmem>> -> memref<1x128xi32, #tpu.memory_space<vmem>>
          %dma_start3A_290 = arith.constant 0 : i32
          %dma_start3A_291 = tpu.memref_slice %arg4[%dma_start3A_290, %mul3A_285] : memref<1x16384xi32, #tpu.memory_space<hbm>> -> memref<1x128xi32, #tpu.memory_space<hbm>>
          %dma_start3A_292 = tpu.memref_slice %run_scoped3A_25[%rem3A_283] : memref<2x!tpu.dma_semaphore, #tpu.memory_space<semaphore_mem>> -> memref<1x!tpu.dma_semaphore, #tpu.memory_space<semaphore_mem>>
          %dma_start3A_293 = tpu.memref_squeeze %dma_start3A_292 : memref<1x!tpu.dma_semaphore, #tpu.memory_space<semaphore_mem>> -> memref<!tpu.dma_semaphore, #tpu.memory_space<semaphore_mem>>
          %dma_start3A_294 = arith.constant 0 : i32
          %dma_start3A_295 = arith.constant 0 : i32
          %dma_start3A_296 = tpu.memref_slice %run_scoped3A[%rem3A_283, %dma_start3A_294, %dma_start3A_295] : memref<2x1x128xi32, #tpu.memory_space<vmem>> -> memref<1x1x128xi32, #tpu.memory_space<vmem>>
          %dma_start3A_297 = tpu.memref_squeeze %dma_start3A_296 : memref<1x1x128xi32, #tpu.memory_space<vmem>> -> memref<1x128xi32, #tpu.memory_space<vmem>>
          %dma_start3A_298 = arith.constant 0 : i32
          %dma_start3A_299 = tpu.memref_slice %arg4[%dma_start3A_298, %mul3A_285] : memref<1x16384xi32, #tpu.memory_space<hbm>> -> memref<1x128xi32, #tpu.memory_space<hbm>>
          tpu.enqueue_dma source(%dma_start3A_299 : memref<1x128xi32, #tpu.memory_space<hbm>>) target(%dma_start3A_297 : memref<1x128xi32, #tpu.memory_space<vmem>>) target_semaphore(%dma_start3A_293 : memref<!tpu.dma_semaphore, #tpu.memory_space<semaphore_mem>>)
          "tpu.trace_stop"() : () -> ()
        } else {
        }
        %and3A_181 = arith.constant true
        %and3A_182 = arith.andi %and3A, %and3A_181 : i1
        %add3A_183 = arith.constant 1 : i32
        %add3A_184 = arith.addi %scan3A_140, %add3A_183 : i32
        %select_n3A_185 = arith.select %and3A_182, %add3A_184, %scan3A_140 : i32
        %ne3A_186 = arith.cmpi ne, %add3A_149, %add3A_167 : i32
        %or3A_187 = arith.constant false
        %or3A_188 = arith.ori %or3A_187, %ne3A_186 : i1
        %or3A_189 = arith.constant false
        %or3A_190 = arith.ori %or3A_188, %or3A_189 : i1
        %ge3A_191 = arith.constant 3 : i32
        %ge3A_192 = arith.cmpi sge, %scan3A_139, %ge3A_191 : i32
        %not3A_193 = arith.constant true
        %not3A_194 = arith.xori %ge3A_192, %not3A_193 : i1
        %and3A_195 = arith.andi %or3A_190, %not3A_194 : i1
        %ne3A_196 = arith.cmpi ne, %add3A_149, %add3A_158 : i32
        %or3A_197 = arith.constant false
        %or3A_198 = arith.ori %or3A_197, %ne3A_196 : i1
        %or3A_199 = arith.ori %or3A_198, %eq3A_146 : i1
        %convert_element_type3A_200 = arith.extui %or3A_199 : i1 to i32
        %cond3A_201 = arith.constant 0 : i32
        %cond3A_202 = arith.cmpi ne, %convert_element_type3A_200, %cond3A_201 : i32
        scf.if %cond3A_202 {
          "tpu.trace_start"() <{level = 10 : i32, message = "ep_wait_in"}> : () -> ()
          %mul3A_282 = arith.constant 128 : i32
          %mul3A_283 = arith.muli %mul3A_282, %add3A_149 : i32
          %rem3A_284 = arith.constant 2 : i32
          %rem3A_285 = arith.remui %scan3A_141, %rem3A_284 : i32
          %dma_wait3A_286 = arith.constant 0 : i32
          %dma_wait3A_287 = arith.constant 0 : i32
          %dma_wait3A_288 = tpu.memref_slice %run_scoped3A[%rem3A_285, %dma_wait3A_286, %dma_wait3A_287] : memref<2x1x128xi32, #tpu.memory_space<vmem>> -> memref<1x1x128xi32, #tpu.memory_space<vmem>>
          %dma_wait3A_289 = tpu.memref_squeeze %dma_wait3A_288 : memref<1x1x128xi32, #tpu.memory_space<vmem>> -> memref<1x128xi32, #tpu.memory_space<vmem>>
          %dma_wait3A_290 = arith.constant 0 : i32
          %dma_wait3A_291 = tpu.memref_slice %arg4[%dma_wait3A_290, %mul3A_283] : memref<1x16384xi32, #tpu.memory_space<hbm>> -> memref<1x128xi32, #tpu.memory_space<hbm>>
          %dma_wait3A_292 = tpu.memref_slice %run_scoped3A_25[%rem3A_285] : memref<2x!tpu.dma_semaphore, #tpu.memory_space<semaphore_mem>> -> memref<1x!tpu.dma_semaphore, #tpu.memory_space<semaphore_mem>>
          %dma_wait3A_293 = tpu.memref_squeeze %dma_wait3A_292 : memref<1x!tpu.dma_semaphore, #tpu.memory_space<semaphore_mem>> -> memref<!tpu.dma_semaphore, #tpu.memory_space<semaphore_mem>>
          %dma_wait3A_294 = arith.constant 0 : i32
          %dma_wait3A_295 = arith.constant 0 : i32
          %dma_wait3A_296 = tpu.memref_slice %run_scoped3A[%rem3A_285, %dma_wait3A_294, %dma_wait3A_295] : memref<2x1x128xi32, #tpu.memory_space<vmem>> -> memref<1x1x128xi32, #tpu.memory_space<vmem>>
          %dma_wait3A_297 = tpu.memref_squeeze %dma_wait3A_296 : memref<1x1x128xi32, #tpu.memory_space<vmem>> -> memref<1x128xi32, #tpu.memory_space<vmem>>
          %dma_wait3A_298 = arith.constant 0 : i32
          %dma_wait3A_299 = tpu.memref_slice %arg4[%dma_wait3A_298, %mul3A_283] : memref<1x16384xi32, #tpu.memory_space<hbm>> -> memref<1x128xi32, #tpu.memory_space<hbm>>
          tpu.wait_dma2 semaphore(%dma_wait3A_293 : memref<!tpu.dma_semaphore, #tpu.memory_space<semaphore_mem>>) src(%dma_wait3A_299 : memref<1x128xi32, #tpu.memory_space<hbm>>) dst(%dma_wait3A_297 : memref<1x128xi32, #tpu.memory_space<vmem>>)
          "tpu.trace_stop"() : () -> ()
        } else {
        }
        %ne3A_203 = arith.cmpi ne, %add3A_149, %add3A_158 : i32
        %or3A_204 = arith.constant false
        %or3A_205 = arith.ori %or3A_204, %ne3A_203 : i1
        %or3A_206 = arith.constant false
        %or3A_207 = arith.ori %or3A_205, %or3A_206 : i1
        %or3A_208 = arith.ori %or3A_207, %eq3A_146 : i1
        %convert_element_type3A_209 = arith.extui %or3A_208 : i1 to i32
        %cond3A_210 = arith.constant 0 : i32
        %cond3A_211 = arith.cmpi ne, %convert_element_type3A_209, %cond3A_210 : i32
        scf.if %cond3A_211 {
        } else {
        }
        %rem3A_212 = arith.constant 2 : i32
        %rem3A_213 = arith.remui %scan3A_141, %rem3A_212 : i32
        %rem3A_214 = arith.constant 2 : i32
        %rem3A_215 = arith.remui %scan3A_142, %rem3A_214 : i32
        %run_scoped3A_216 = arith.constant 0 : i32
        "tpu.trace_start"() <{level = 10 : i32, message = "ep_run_kernel"}> : () -> ()
        "tpu.region"() ({
          %run_scoped3A_282 = tpu.sem_alloc : memref<!tpu.dma_semaphore, #tpu.memory_space<semaphore_mem>>
          %dma_start3A_283 = arith.constant 0 : i32
          %dma_start3A_284 = arith.constant 0 : i32
          %dma_start3A_285 = tpu.memref_slice %run_scoped3A_26[%rem3A_215, %dma_start3A_283, %dma_start3A_284] : memref<2x128x16xf32, #tpu.memory_space<vmem>> -> memref<1x128x16xf32, #tpu.memory_space<vmem>>
          %dma_start3A_286 = tpu.memref_squeeze %dma_start3A_285 : memref<1x128x16xf32, #tpu.memory_space<vmem>> -> memref<128x16xf32, #tpu.memory_space<vmem>>
          %dma_start3A_287 = arith.constant 0 : i32
          %dma_start3A_288 = arith.constant 0 : i32
          %dma_start3A_289 = tpu.memref_slice %run_scoped3A[%rem3A_213, %dma_start3A_287, %dma_start3A_288] : memref<2x1x128xi32, #tpu.memory_space<vmem>> -> memref<1x1x128xi32, #tpu.memory_space<vmem>>
          %dma_start3A_290 = tpu.memref_squeeze %dma_start3A_289 : memref<1x1x128xi32, #tpu.memory_space<vmem>> -> memref<1x128xi32, #tpu.memory_space<vmem>>
          %dma_start3A_291 = arith.constant 0 : i32
          %dma_start3A_292 = tpu.memref_slice %dma_start3A_290[%run_scoped3A_216, %dma_start3A_291] : memref<1x128xi32, #tpu.memory_space<vmem>> -> memref<1x128xi32, #tpu.memory_space<vmem>>
          %dma_start3A_293 = tpu.memref_squeeze %dma_start3A_292 : memref<1x128xi32, #tpu.memory_space<vmem>> -> memref<128xi32, #tpu.memory_space<vmem>>
          %dma_start3A_294 = arith.constant 0 : i32
          %dma_start3A_295 = arith.constant 0 : i32
          %dma_start3A_296 = tpu.memref_slice %arg7[%dma_start3A_294, %dma_start3A_295] : memref<1000x16xf32, #tpu.memory_space<hbm>> -> memref<1000x16xf32, #tpu.memory_space<hbm>>
          tpu.enqueue_indirect_dma source(%dma_start3A_296 : memref<1000x16xf32, #tpu.memory_space<hbm>>) target(%dma_start3A_286 : memref<128x16xf32, #tpu.memory_space<vmem>>) offsets(%dma_start3A_293 : memref<128xi32, #tpu.memory_space<vmem>>) semaphore(%run_scoped3A_282 : memref<!tpu.dma_semaphore, #tpu.memory_space<semaphore_mem>>)
          %dma_wait3A_297 = arith.constant 0 : i32
          %dma_wait3A_298 = arith.constant 0 : i32
          %dma_wait3A_299 = tpu.memref_slice %run_scoped3A_26[%rem3A_215, %dma_wait3A_297, %dma_wait3A_298] : memref<2x128x16xf32, #tpu.memory_space<vmem>> -> memref<1x128x16xf32, #tpu.memory_space<vmem>>
          %dma_wait3A_300 = tpu.memref_squeeze %dma_wait3A_299 : memref<1x128x16xf32, #tpu.memory_space<vmem>> -> memref<128x16xf32, #tpu.memory_space<vmem>>
          %dma_wait3A_301 = arith.constant 0 : i32
          %dma_wait3A_302 = arith.constant 0 : i32
          %dma_wait3A_303 = tpu.memref_slice %run_scoped3A[%rem3A_213, %dma_wait3A_301, %dma_wait3A_302] : memref<2x1x128xi32, #tpu.memory_space<vmem>> -> memref<1x1x128xi32, #tpu.memory_space<vmem>>
          %dma_wait3A_304 = tpu.memref_squeeze %dma_wait3A_303 : memref<1x1x128xi32, #tpu.memory_space<vmem>> -> memref<1x128xi32, #tpu.memory_space<vmem>>
          %dma_wait3A_305 = arith.constant 0 : i32
          %dma_wait3A_306 = tpu.memref_slice %dma_wait3A_304[%run_scoped3A_216, %dma_wait3A_305] : memref<1x128xi32, #tpu.memory_space<vmem>> -> memref<1x128xi32, #tpu.memory_space<vmem>>
          %dma_wait3A_307 = tpu.memref_squeeze %dma_wait3A_306 : memref<1x128xi32, #tpu.memory_space<vmem>> -> memref<128xi32, #tpu.memory_space<vmem>>
          %dma_wait3A_308 = arith.constant 0 : i32
          %dma_wait3A_309 = arith.constant 0 : i32
          %dma_wait3A_310 = tpu.memref_slice %arg7[%dma_wait3A_308, %dma_wait3A_309] : memref<1000x16xf32, #tpu.memory_space<hbm>> -> memref<1000x16xf32, #tpu.memory_space<hbm>>
          tpu.wait_indirect_dma semaphore(%run_scoped3A_282 : memref<!tpu.dma_semaphore, #tpu.memory_space<semaphore_mem>>) src(%dma_wait3A_310 : memref<1000x16xf32, #tpu.memory_space<hbm>>) dst(%dma_wait3A_300 : memref<128x16xf32, #tpu.memory_space<vmem>>)
          tpu.yield
        }) : () -> ()
        "tpu.trace_stop"() : () -> ()
        %ne3A_217 = arith.cmpi ne, %add3A_149, %add3A_167 : i32
        %or3A_218 = arith.constant false
        %or3A_219 = arith.ori %or3A_218, %ne3A_217 : i1
        %or3A_220 = arith.ori %or3A_219, %eq3A_148 : i1
        %convert_element_type3A_221 = arith.extui %or3A_220 : i1 to i32
        %cond3A_222 = arith.constant 0 : i32
        %cond3A_223 = arith.cmpi ne, %convert_element_type3A_221, %cond3A_222 : i32
        scf.if %cond3A_223 {
        } else {
        }
        %and3A_224 = arith.constant false
        %and3A_225 = arith.andi %or3A_220, %and3A_224 : i1
        %ne3A_226 = arith.cmpi ne, %add3A_149, %add3A_167 : i32
        %or3A_227 = arith.constant false
        %or3A_228 = arith.ori %or3A_227, %ne3A_226 : i1
        %or3A_229 = arith.constant false
        %or3A_230 = arith.ori %or3A_228, %or3A_229 : i1
        %or3A_231 = arith.ori %or3A_230, %eq3A_148 : i1
        %convert_element_type3A_232 = arith.extui %or3A_231 : i1 to i32
        %cond3A_233 = arith.constant 0 : i32
        %cond3A_234 = arith.cmpi ne, %convert_element_type3A_232, %cond3A_233 : i32
        scf.if %cond3A_234 {
          "tpu.trace_start"() <{level = 10 : i32, message = "ep_copy_out"}> : () -> ()
          %rem3A_282 = arith.constant 2 : i32
          %rem3A_283 = arith.remui %scan3A_142, %rem3A_282 : i32
          %mul3A_284 = arith.constant 128 : i32
          %mul3A_285 = arith.muli %mul3A_284, %add3A_149 : i32
          %dma_start3A_286 = arith.constant 0 : i32
          %dma_start3A_287 = arith.constant 0 : i32
          %dma_start3A_288 = tpu.memref_slice %run_scoped3A_26[%rem3A_283, %dma_start3A_286, %dma_start3A_287] : memref<2x128x16xf32, #tpu.memory_space<vmem>> -> memref<1x128x16xf32, #tpu.memory_space<vmem>>
          %dma_start3A_289 = tpu.memref_squeeze %dma_start3A_288 : memref<1x128x16xf32, #tpu.memory_space<vmem>> -> memref<128x16xf32, #tpu.memory_space<vmem>>
          %dma_start3A_290 = arith.constant 0 : i32
          %dma_start3A_291 = tpu.memref_slice %arg10[%mul3A_285, %dma_start3A_290] : memref<16384x16xf32, #tpu.memory_space<hbm>> -> memref<128x16xf32, #tpu.memory_space<hbm>>
          %dma_start3A_292 = tpu.memref_slice %run_scoped3A_27[%rem3A_283] : memref<2x!tpu.dma_semaphore, #tpu.memory_space<semaphore_mem>> -> memref<1x!tpu.dma_semaphore, #tpu.memory_space<semaphore_mem>>
          %dma_start3A_293 = tpu.memref_squeeze %dma_start3A_292 : memref<1x!tpu.dma_semaphore, #tpu.memory_space<semaphore_mem>> -> memref<!tpu.dma_semaphore, #tpu.memory_space<semaphore_mem>>
          %dma_start3A_294 = arith.constant 0 : i32
          %dma_start3A_295 = tpu.memref_slice %arg10[%mul3A_285, %dma_start3A_294] : memref<16384x16xf32, #tpu.memory_space<hbm>> -> memref<128x16xf32, #tpu.memory_space<hbm>>
          %dma_start3A_296 = arith.constant 0 : i32
          %dma_start3A_297 = arith.constant 0 : i32
          %dma_start3A_298 = tpu.memref_slice %run_scoped3A_26[%rem3A_283, %dma_start3A_296, %dma_start3A_297] : memref<2x128x16xf32, #tpu.memory_space<vmem>> -> memref<1x128x16xf32, #tpu.memory_space<vmem>>
          %dma_start3A_299 = tpu.memref_squeeze %dma_start3A_298 : memref<1x128x16xf32, #tpu.memory_space<vmem>> -> memref<128x16xf32, #tpu.memory_space<vmem>>
          tpu.enqueue_dma source(%dma_start3A_299 : memref<128x16xf32, #tpu.memory_space<vmem>>) target(%dma_start3A_295 : memref<128x16xf32, #tpu.memory_space<hbm>>) target_semaphore(%dma_start3A_293 : memref<!tpu.dma_semaphore, #tpu.memory_space<semaphore_mem>>)
          "tpu.trace_stop"() : () -> ()
        } else {
        }
        %and3A_235 = arith.constant true
        %and3A_236 = arith.andi %or3A_231, %and3A_235 : i1
        %add3A_237 = arith.constant 1 : i32
        %add3A_238 = arith.addi %scan3A_142, %add3A_237 : i32
        %select_n3A_239 = arith.select %and3A_236, %add3A_238, %scan3A_142 : i32
        %ne3A_240 = arith.cmpi ne, %add3A_149, %add3A_158 : i32
        %or3A_241 = arith.constant false
        %or3A_242 = arith.ori %or3A_241, %ne3A_240 : i1
        %not3A_243 = arith.constant true
        %not3A_244 = arith.xori %eq3A_146, %not3A_243 : i1
        %and3A_245 = arith.andi %or3A_242, %not3A_244 : i1
        %convert_element_type3A_246 = arith.extui %and3A_245 : i1 to i32
        %cond3A_247 = arith.constant 0 : i32
        %cond3A_248 = arith.cmpi ne, %convert_element_type3A_246, %cond3A_247 : i32
        scf.if %cond3A_248 {
        } else {
        }
        %and3A_249 = arith.constant false
        %and3A_250 = arith.andi %and3A_245, %and3A_249 : i1
        %ne3A_251 = arith.cmpi ne, %add3A_149, %add3A_158 : i32
        %or3A_252 = arith.constant false
        %or3A_253 = arith.ori %or3A_252, %ne3A_251 : i1
        %or3A_254 = arith.constant false
        %or3A_255 = arith.ori %or3A_253, %or3A_254 : i1
        %not3A_256 = arith.constant true
        %not3A_257 = arith.xori %eq3A_146, %not3A_256 : i1
        %and3A_258 = arith.andi %or3A_255, %not3A_257 : i1
        %convert_element_type3A_259 = arith.extui %and3A_258 : i1 to i32
        %cond3A_260 = arith.constant 0 : i32
        %cond3A_261 = arith.cmpi ne, %convert_element_type3A_259, %cond3A_260 : i32
        scf.if %cond3A_261 {
          "tpu.trace_start"() <{level = 10 : i32, message = "ep_wait_out"}> : () -> ()
          %rem3A_282 = arith.constant 2 : i32
          %rem3A_283 = arith.remui %scan3A_143, %rem3A_282 : i32
          %mul3A_284 = arith.constant 128 : i32
          %mul3A_285 = arith.muli %mul3A_284, %add3A_158 : i32
          %dma_wait3A_286 = arith.constant 0 : i32
          %dma_wait3A_287 = arith.constant 0 : i32
          %dma_wait3A_288 = tpu.memref_slice %run_scoped3A_26[%rem3A_283, %dma_wait3A_286, %dma_wait3A_287] : memref<2x128x16xf32, #tpu.memory_space<vmem>> -> memref<1x128x16xf32, #tpu.memory_space<vmem>>
          %dma_wait3A_289 = tpu.memref_squeeze %dma_wait3A_288 : memref<1x128x16xf32, #tpu.memory_space<vmem>> -> memref<128x16xf32, #tpu.memory_space<vmem>>
          %dma_wait3A_290 = arith.constant 0 : i32
          %dma_wait3A_291 = tpu.memref_slice %arg10[%mul3A_285, %dma_wait3A_290] : memref<16384x16xf32, #tpu.memory_space<hbm>> -> memref<128x16xf32, #tpu.memory_space<hbm>>
          %dma_wait3A_292 = tpu.memref_slice %run_scoped3A_27[%rem3A_283] : memref<2x!tpu.dma_semaphore, #tpu.memory_space<semaphore_mem>> -> memref<1x!tpu.dma_semaphore, #tpu.memory_space<semaphore_mem>>
          %dma_wait3A_293 = tpu.memref_squeeze %dma_wait3A_292 : memref<1x!tpu.dma_semaphore, #tpu.memory_space<semaphore_mem>> -> memref<!tpu.dma_semaphore, #tpu.memory_space<semaphore_mem>>
          %dma_wait3A_294 = arith.constant 0 : i32
          %dma_wait3A_295 = tpu.memref_slice %arg10[%mul3A_285, %dma_wait3A_294] : memref<16384x16xf32, #tpu.memory_space<hbm>> -> memref<128x16xf32, #tpu.memory_space<hbm>>
          %dma_wait3A_296 = arith.constant 0 : i32
          %dma_wait3A_297 = arith.constant 0 : i32
          %dma_wait3A_298 = tpu.memref_slice %run_scoped3A_26[%rem3A_283, %dma_wait3A_296, %dma_wait3A_297] : memref<2x128x16xf32, #tpu.memory_space<vmem>> -> memref<1x128x16xf32, #tpu.memory_space<vmem>>
          %dma_wait3A_299 = tpu.memref_squeeze %dma_wait3A_298 : memref<1x128x16xf32, #tpu.memory_space<vmem>> -> memref<128x16xf32, #tpu.memory_space<vmem>>
          tpu.wait_dma2 semaphore(%dma_wait3A_293 : memref<!tpu.dma_semaphore, #tpu.memory_space<semaphore_mem>>) src(%dma_wait3A_299 : memref<128x16xf32, #tpu.memory_space<vmem>>) dst(%dma_wait3A_295 : memref<128x16xf32, #tpu.memory_space<hbm>>)
          "tpu.trace_stop"() : () -> ()
        } else {
        }
        %and3A_262 = arith.constant true
        %and3A_263 = arith.andi %and3A_258, %and3A_262 : i1
        %add3A_264 = arith.constant 1 : i32
        %add3A_265 = arith.addi %scan3A_143, %add3A_264 : i32
        %select_n3A_266 = arith.select %and3A_263, %add3A_265, %scan3A_143 : i32
        %ne3A_267 = arith.cmpi ne, %add3A_149, %add3A_167 : i32
        %or3A_268 = arith.constant false
        %or3A_269 = arith.ori %or3A_268, %ne3A_267 : i1
        %or3A_270 = arith.ori %or3A_269, %eq3A_148 : i1
        %add3A_271 = arith.constant 1 : i32
        %add3A_272 = arith.addi %scan3A_141, %add3A_271 : i32
        %select_n3A_273 = arith.select %or3A_270, %add3A_272, %scan3A_141 : i32
        %add3A_274 = arith.constant 1 : i32
        %add3A_275 = arith.addi %scan3A_144, %add3A_274 : i32
        %select_n3A_276 = arith.constant true
        %select_n3A_277 = arith.select %select_n3A_276, %add3A_275, %scan3A_144 : i32
        %eq3A_278 = arith.constant 4 : i32
        %eq3A_279 = arith.cmpi eq, %select_n3A_277, %eq3A_278 : i32
        %select_n3A_280 = arith.constant 0 : i32
        %select_n3A_281 = arith.select %eq3A_279, %select_n3A_280, %select_n3A_277 : i32
        scf.yield %select_n3A_185, %select_n3A_273, %select_n3A_239, %select_n3A_266, %select_n3A_281 : i32, i32, i32, i32, i32
      }
      %scan3A_86 = arith.constant 4 : i32
      %sub3A = arith.constant 1 : i32
      %sub3A_87 = arith.subi %scan3A_85#4, %sub3A : i32
      %select_n3A_88 = arith.constant true
      %select_n3A_89 = arith.select %select_n3A_88, %sub3A_87, %scan3A_85#4 : i32
      %eq3A_90 = arith.constant -1 : i32
      %eq3A_91 = arith.cmpi eq, %select_n3A_89, %eq3A_90 : i32
      %select_n3A_92 = arith.constant 3 : i32
      %select_n3A_93 = arith.select %eq3A_91, %select_n3A_92, %select_n3A_89 : i32
      %add3A_94 = arith.addi %select_n3A_93, %mul3A_24 : i32
      %sub3A_95 = arith.constant 1 : i32
      %sub3A_96 = arith.subi %select_n3A_93, %sub3A_95 : i32
      %select_n3A_97 = arith.constant true
      %select_n3A_98 = arith.select %select_n3A_97, %sub3A_96, %select_n3A_93 : i32
      %eq3A_99 = arith.constant -1 : i32
      %eq3A_100 = arith.cmpi eq, %select_n3A_98, %eq3A_99 : i32
      %select_n3A_101 = arith.constant 3 : i32
      %select_n3A_102 = arith.select %eq3A_100, %select_n3A_101, %select_n3A_98 : i32
      %add3A_103 = arith.addi %select_n3A_102, %mul3A_24 : i32
      %add3A_104 = arith.constant 1 : i32
      %add3A_105 = arith.addi %select_n3A_93, %add3A_104 : i32
      %select_n3A_106 = arith.constant true
      %select_n3A_107 = arith.select %select_n3A_106, %add3A_105, %select_n3A_93 : i32
      %eq3A_108 = arith.constant 4 : i32
      %eq3A_109 = arith.cmpi eq, %select_n3A_107, %eq3A_108 : i32
      %select_n3A_110 = arith.constant 0 : i32
      %select_n3A_111 = arith.select %eq3A_109, %select_n3A_110, %select_n3A_107 : i32
      %add3A_112 = arith.addi %select_n3A_111, %mul3A_24 : i32
      %add3A_113 = arith.constant 1 : i32
      %add3A_114 = arith.addi %select_n3A_111, %add3A_113 : i32
      %select_n3A_115 = arith.constant true
      %select_n3A_116 = arith.select %select_n3A_115, %add3A_114, %select_n3A_111 : i32
      %eq3A_117 = arith.constant 4 : i32
      %eq3A_118 = arith.cmpi eq, %select_n3A_116, %eq3A_117 : i32
      %select_n3A_119 = arith.constant 0 : i32
      %select_n3A_120 = arith.select %eq3A_118, %select_n3A_119, %select_n3A_116 : i32
      %add3A_121 = arith.addi %select_n3A_120, %mul3A_24 : i32
      "tpu.trace_start"() <{level = 10 : i32, message = "ep_finalize"}> : () -> ()
      %rem3A_122 = arith.constant 2 : i32
      %rem3A_123 = arith.remui %scan3A_85#3, %rem3A_122 : i32
      %mul3A_124 = arith.constant 128 : i32
      %mul3A_125 = arith.muli %mul3A_124, %add3A_94 : i32
      %dma_wait3A = arith.constant 0 : i32
      %dma_wait3A_126 = arith.constant 0 : i32
      %dma_wait3A_127 = tpu.memref_slice %run_scoped3A_26[%rem3A_123, %dma_wait3A, %dma_wait3A_126] : memref<2x128x16xf32, #tpu.memory_space<vmem>> -> memref<1x128x16xf32, #tpu.memory_space<vmem>>
      %dma_wait3A_128 = tpu.memref_squeeze %dma_wait3A_127 : memref<1x128x16xf32, #tpu.memory_space<vmem>> -> memref<128x16xf32, #tpu.memory_space<vmem>>
      %dma_wait3A_129 = arith.constant 0 : i32
      %dma_wait3A_130 = tpu.memref_slice %arg10[%mul3A_125, %dma_wait3A_129] : memref<16384x16xf32, #tpu.memory_space<hbm>> -> memref<128x16xf32, #tpu.memory_space<hbm>>
      %dma_wait3A_131 = tpu.memref_slice %run_scoped3A_27[%rem3A_123] : memref<2x!tpu.dma_semaphore, #tpu.memory_space<semaphore_mem>> -> memref<1x!tpu.dma_semaphore, #tpu.memory_space<semaphore_mem>>
      %dma_wait3A_132 = tpu.memref_squeeze %dma_wait3A_131 : memref<1x!tpu.dma_semaphore, #tpu.memory_space<semaphore_mem>> -> memref<!tpu.dma_semaphore, #tpu.memory_space<semaphore_mem>>
      %dma_wait3A_133 = arith.constant 0 : i32
      %dma_wait3A_134 = tpu.memref_slice %arg10[%mul3A_125, %dma_wait3A_133] : memref<16384x16xf32, #tpu.memory_space<hbm>> -> memref<128x16xf32, #tpu.memory_space<hbm>>
      %dma_wait3A_135 = arith.constant 0 : i32
      %dma_wait3A_136 = arith.constant 0 : i32
      %dma_wait3A_137 = tpu.memref_slice %run_scoped3A_26[%rem3A_123, %dma_wait3A_135, %dma_wait3A_136] : memref<2x128x16xf32, #tpu.memory_space<vmem>> -> memref<1x128x16xf32, #tpu.memory_space<vmem>>
      %dma_wait3A_138 = tpu.memref_squeeze %dma_wait3A_137 : memref<1x128x16xf32, #tpu.memory_space<vmem>> -> memref<128x16xf32, #tpu.memory_space<vmem>>
      tpu.wait_dma2 semaphore(%dma_wait3A_132 : memref<!tpu.dma_semaphore, #tpu.memory_space<semaphore_mem>>) src(%dma_wait3A_138 : memref<128x16xf32, #tpu.memory_space<vmem>>) dst(%dma_wait3A_134 : memref<128x16xf32, #tpu.memory_space<hbm>>)
      "tpu.trace_stop"() : () -> ()
      tpu.yield
    }) : () -> ()
    return
  }
}

module attributes {stable_mosaic.version = 14 : i64} {
  func.func @_mlp_body(%arg0: i32, %arg1: memref<2048x16xf32, #tpu.memory_space<vmem>>, %arg2: memref<2048x16xf32, #tpu.memory_space<vmem>>, %arg3: memref<2048x16xf32, #tpu.memory_space<vmem>>, %arg4: memref<16x64xf32, #tpu.memory_space<vmem>>, %arg5: memref<16x64xf32, #tpu.memory_space<vmem>>, %arg6: memref<16x64xf32, #tpu.memory_space<vmem>>, %arg7: memref<1x64xf32, #tpu.memory_space<vmem>>, %arg8: memref<64x32xf32, #tpu.memory_space<vmem>>, %arg9: memref<1x32xf32, #tpu.memory_space<vmem>>, %arg10: memref<32x1xf32, #tpu.memory_space<vmem>>, %arg11: memref<1x1xf32, #tpu.memory_space<vmem>>, %arg12: memref<2048x1xf32, #tpu.memory_space<vmem>>) attributes {dimension_semantics = [#tpu.dimension_semantics<arbitrary>], iteration_bounds = array<i64: 8>, scalar_prefetch = 0 : i64, scratch_operands = 0 : i64, tpu.core_type = #tpu.core_type<tc>, window_params = [{transform_indices = @transform_0, window_bounds = array<i64: 2048, 16>}, {transform_indices = @transform_1, window_bounds = array<i64: 2048, 16>}, {transform_indices = @transform_2, window_bounds = array<i64: 2048, 16>}, {pipeline_mode = #tpu.pipeline_mode<synchronous>, transform_indices = @transform_3, window_bounds = array<i64: 16, 64>}, {pipeline_mode = #tpu.pipeline_mode<synchronous>, transform_indices = @transform_4, window_bounds = array<i64: 16, 64>}, {pipeline_mode = #tpu.pipeline_mode<synchronous>, transform_indices = @transform_5, window_bounds = array<i64: 16, 64>}, {pipeline_mode = #tpu.pipeline_mode<synchronous>, transform_indices = @transform_6, window_bounds = array<i64: 1, 64>}, {pipeline_mode = #tpu.pipeline_mode<synchronous>, transform_indices = @transform_7, window_bounds = array<i64: 64, 32>}, {pipeline_mode = #tpu.pipeline_mode<synchronous>, transform_indices = @transform_8, window_bounds = array<i64: 1, 32>}, {pipeline_mode = #tpu.pipeline_mode<synchronous>, transform_indices = @transform_9, window_bounds = array<i64: 32, 1>}, {pipeline_mode = #tpu.pipeline_mode<synchronous>, transform_indices = @transform_10, window_bounds = array<i64: 1, 1>}, {transform_indices = @transform_11, window_bounds = array<i64: 2048, 1>}]} {
    %get3A = arith.constant 0 : index
    %get3A_0 = arith.constant 0 : index
    %get3A_1 = vector.load %arg1[%get3A, %get3A_0] : memref<2048x16xf32, #tpu.memory_space<vmem>>, vector<2048x16xf32>
    %get3A_2 = arith.constant 0 : index
    %get3A_3 = arith.constant 0 : index
    %get3A_4 = vector.load %arg4[%get3A_2, %get3A_3] : memref<16x64xf32, #tpu.memory_space<vmem>>, vector<16x64xf32>
    %dot_general3A = arith.constant dense<0.000000e+00> : vector<2048x64xf32>
    %dot_general3A_5 = tpu.matmul %get3A_1, %get3A_4, %dot_general3A {dimension_numbers = #tpu.dot_dimension_numbers<[1], [0], [0], [1], [0, 0, 1, 1], [], []>, transpose_lhs_hint = false} : vector<2048x16xf32>, vector<16x64xf32>, vector<2048x64xf32> -> vector<2048x64xf32>
    %get3A_6 = arith.constant 0 : index
    %get3A_7 = arith.constant 0 : index
    %get3A_8 = vector.load %arg2[%get3A_6, %get3A_7] : memref<2048x16xf32, #tpu.memory_space<vmem>>, vector<2048x16xf32>
    %get3A_9 = arith.constant 0 : index
    %get3A_10 = arith.constant 0 : index
    %get3A_11 = vector.load %arg5[%get3A_9, %get3A_10] : memref<16x64xf32, #tpu.memory_space<vmem>>, vector<16x64xf32>
    %dot_general3A_12 = arith.constant dense<0.000000e+00> : vector<2048x64xf32>
    %dot_general3A_13 = tpu.matmul %get3A_8, %get3A_11, %dot_general3A_12 {dimension_numbers = #tpu.dot_dimension_numbers<[1], [0], [0], [1], [0, 0, 1, 1], [], []>, transpose_lhs_hint = false} : vector<2048x16xf32>, vector<16x64xf32>, vector<2048x64xf32> -> vector<2048x64xf32>
    %add3A = arith.addf %dot_general3A_5, %dot_general3A_13 : vector<2048x64xf32>
    %get3A_14 = arith.constant 0 : index
    %get3A_15 = arith.constant 0 : index
    %get3A_16 = vector.load %arg3[%get3A_14, %get3A_15] : memref<2048x16xf32, #tpu.memory_space<vmem>>, vector<2048x16xf32>
    %get3A_17 = arith.constant 0 : index
    %get3A_18 = arith.constant 0 : index
    %get3A_19 = vector.load %arg6[%get3A_17, %get3A_18] : memref<16x64xf32, #tpu.memory_space<vmem>>, vector<16x64xf32>
    %dot_general3A_20 = arith.constant dense<0.000000e+00> : vector<2048x64xf32>
    %dot_general3A_21 = tpu.matmul %get3A_16, %get3A_19, %dot_general3A_20 {dimension_numbers = #tpu.dot_dimension_numbers<[1], [0], [0], [1], [0, 0, 1, 1], [], []>, transpose_lhs_hint = false} : vector<2048x16xf32>, vector<16x64xf32>, vector<2048x64xf32> -> vector<2048x64xf32>
    %add3A_22 = arith.addf %add3A, %dot_general3A_21 : vector<2048x64xf32>
    %get3A_23 = arith.constant 0 : index
    %get3A_24 = arith.constant 0 : index
    %get3A_25 = vector.load %arg7[%get3A_23, %get3A_24] : memref<1x64xf32, #tpu.memory_space<vmem>>, vector<1x64xf32>
    %add3A_26 = vector.broadcast %get3A_25 : vector<1x64xf32> to vector<2048x64xf32>
    %add3A_27 = arith.addf %add3A_22, %add3A_26 : vector<2048x64xf32>
    %max3A = arith.constant 0.000000e+00 : f32
    %max3A_28 = vector.broadcast %max3A : f32 to vector<2048x64xf32>
    %max3A_29 = arith.maximumf %add3A_27, %max3A_28 : vector<2048x64xf32>
    %get3A_30 = arith.constant 0 : index
    %get3A_31 = arith.constant 0 : index
    %get3A_32 = vector.load %arg8[%get3A_30, %get3A_31] : memref<64x32xf32, #tpu.memory_space<vmem>>, vector<64x32xf32>
    %dot_general3A_33 = arith.constant dense<0.000000e+00> : vector<2048x32xf32>
    %dot_general3A_34 = tpu.matmul %max3A_29, %get3A_32, %dot_general3A_33 {dimension_numbers = #tpu.dot_dimension_numbers<[1], [0], [0], [1], [0, 0, 1, 1], [], []>, transpose_lhs_hint = false} : vector<2048x64xf32>, vector<64x32xf32>, vector<2048x32xf32> -> vector<2048x32xf32>
    %get3A_35 = arith.constant 0 : index
    %get3A_36 = arith.constant 0 : index
    %get3A_37 = vector.load %arg9[%get3A_35, %get3A_36] : memref<1x32xf32, #tpu.memory_space<vmem>>, vector<1x32xf32>
    %add3A_38 = vector.broadcast %get3A_37 : vector<1x32xf32> to vector<2048x32xf32>
    %add3A_39 = arith.addf %dot_general3A_34, %add3A_38 : vector<2048x32xf32>
    %max3A_40 = arith.constant 0.000000e+00 : f32
    %max3A_41 = vector.broadcast %max3A_40 : f32 to vector<2048x32xf32>
    %max3A_42 = arith.maximumf %add3A_39, %max3A_41 : vector<2048x32xf32>
    %get3A_43 = arith.constant 0 : index
    %get3A_44 = arith.constant 0 : index
    %get3A_45 = vector.load %arg10[%get3A_43, %get3A_44] : memref<32x1xf32, #tpu.memory_space<vmem>>, vector<32x1xf32>
    %dot_general3A_46 = arith.constant dense<0.000000e+00> : vector<2048x1xf32>
    %dot_general3A_47 = tpu.matmul %max3A_42, %get3A_45, %dot_general3A_46 {dimension_numbers = #tpu.dot_dimension_numbers<[1], [0], [0], [1], [0, 0, 1, 1], [], []>, transpose_lhs_hint = false} : vector<2048x32xf32>, vector<32x1xf32>, vector<2048x1xf32> -> vector<2048x1xf32>
    %get3A_48 = arith.constant 0 : index
    %get3A_49 = arith.constant 0 : index
    %get3A_50 = vector.load %arg11[%get3A_48, %get3A_49] : memref<1x1xf32, #tpu.memory_space<vmem>>, vector<1x1xf32>
    %add3A_51 = vector.broadcast %get3A_50 : vector<1x1xf32> to vector<2048x1xf32>
    %add3A_52 = arith.addf %dot_general3A_47, %add3A_51 : vector<2048x1xf32>
    %neg3A = arith.constant 0.000000e+00 : f32
    %neg3A_53 = vector.broadcast %neg3A : f32 to vector<2048x1xf32>
    %neg3A_54 = arith.subf %neg3A_53, %add3A_52 : vector<2048x1xf32>
    %exp3A = math.exp %neg3A_54 : vector<2048x1xf32>
    %add3A_55 = arith.constant 1.000000e+00 : f32
    %add3A_56 = vector.broadcast %add3A_55 : f32 to vector<2048x1xf32>
    %add3A_57 = arith.addf %add3A_56, %exp3A : vector<2048x1xf32>
    %div3A = arith.constant 1.000000e+00 : f32
    %div3A_58 = vector.broadcast %div3A : f32 to vector<2048x1xf32>
    %div3A_59 = arith.divf %div3A_58, %add3A_57 : vector<2048x1xf32>
    %swap3A = arith.constant 0 : index
    %swap3A_60 = arith.constant 0 : index
    %swap3A_61 = vector.load %arg12[%swap3A, %swap3A_60] : memref<2048x1xf32, #tpu.memory_space<vmem>>, vector<2048x1xf32>
    tpu.vector_store %arg12[%swap3A, %swap3A_60], %div3A_59 {strides = array<i32>} : memref<2048x1xf32, #tpu.memory_space<vmem>>, vector<2048x1xf32>,
    return
  }
  func.func @transform_0(%arg0: i32) -> (i32, i32) {
    %c0_i32 = arith.constant 0 : i32
    %c0_i32_0 = arith.constant 0 : i32
    return %arg0, %c0_i32 : i32, i32
  }
  func.func @transform_1(%arg0: i32) -> (i32, i32) {
    %c0_i32 = arith.constant 0 : i32
    %c0_i32_0 = arith.constant 0 : i32
    return %arg0, %c0_i32 : i32, i32
  }
  func.func @transform_2(%arg0: i32) -> (i32, i32) {
    %c0_i32 = arith.constant 0 : i32
    %c0_i32_0 = arith.constant 0 : i32
    return %arg0, %c0_i32 : i32, i32
  }
  func.func @transform_3(%arg0: i32) -> (i32, i32) {
    %c0_i32 = arith.constant 0 : i32
    %c0_i32_0 = arith.constant 0 : i32
    %c0_i32_1 = arith.constant 0 : i32
    return %c0_i32, %c0_i32_0 : i32, i32
  }
  func.func @transform_4(%arg0: i32) -> (i32, i32) {
    %c0_i32 = arith.constant 0 : i32
    %c0_i32_0 = arith.constant 0 : i32
    %c0_i32_1 = arith.constant 0 : i32
    return %c0_i32, %c0_i32_0 : i32, i32
  }
  func.func @transform_5(%arg0: i32) -> (i32, i32) {
    %c0_i32 = arith.constant 0 : i32
    %c0_i32_0 = arith.constant 0 : i32
    %c0_i32_1 = arith.constant 0 : i32
    return %c0_i32, %c0_i32_0 : i32, i32
  }
  func.func @transform_6(%arg0: i32) -> (i32, i32) {
    %c0_i32 = arith.constant 0 : i32
    %c0_i32_0 = arith.constant 0 : i32
    %c0_i32_1 = arith.constant 0 : i32
    return %c0_i32, %c0_i32_0 : i32, i32
  }
  func.func @transform_7(%arg0: i32) -> (i32, i32) {
    %c0_i32 = arith.constant 0 : i32
    %c0_i32_0 = arith.constant 0 : i32
    %c0_i32_1 = arith.constant 0 : i32
    return %c0_i32, %c0_i32_0 : i32, i32
  }
  func.func @transform_8(%arg0: i32) -> (i32, i32) {
    %c0_i32 = arith.constant 0 : i32
    %c0_i32_0 = arith.constant 0 : i32
    %c0_i32_1 = arith.constant 0 : i32
    return %c0_i32, %c0_i32_0 : i32, i32
  }
  func.func @transform_9(%arg0: i32) -> (i32, i32) {
    %c0_i32 = arith.constant 0 : i32
    %c0_i32_0 = arith.constant 0 : i32
    %c0_i32_1 = arith.constant 0 : i32
    return %c0_i32, %c0_i32_0 : i32, i32
  }
  func.func @transform_10(%arg0: i32) -> (i32, i32) {
    %c0_i32 = arith.constant 0 : i32
    %c0_i32_0 = arith.constant 0 : i32
    %c0_i32_1 = arith.constant 0 : i32
    return %c0_i32, %c0_i32_0 : i32, i32
  }
  func.func @transform_11(%arg0: i32) -> (i32, i32) {
    %c0_i32 = arith.constant 0 : i32
    %c0_i32_0 = arith.constant 0 : i32
    return %arg0, %c0_i32 : i32, i32
  }
}

</mosaic_0001>

<sc_bundles>
// kernel: kernel.4.cloned.1.call-start
scs
__scs_entry_jumppad:
0x0: {  	(pc) =	sbr.rel $0x88, $3  }
0x1: {  	(tag) =	ssettag $0x0;
	lr =	simm.s32 $0x1  }
0x2: {  	[smem:$0x3F95] =	sst lr;
	_ =	strace $0xD0000000  }
0x3: {  	_ = 	snop  }
0x4: {  	_ = 	snop  }
0x5: {  	_ = 	snop  }
0x6: {  	_ = 	snop  }
0x7: {  	_ = 	snop  }
__scs_overlays_trampoline_lowered:
0x8: {  	[smem:$0x3FA4] =	sst s0  }
0x9: {  	[smem:$0x3FA5] =	sst s1  }
0xa: {  	[smem:$0x3FA6] =	sst s2  }
0xb: {  	[smem:$0x3FA7] =	sst s3  }
0xc: {  	[smem:$0x3FA8] =	sst s4  }
0xd: {  	[smem:$0x3FA9] =	sst s5  }
0xe: {  	[smem:$0x3FAA] =	sst s6  }
0xf: {  	[smem:$0x3FAB] =	sst s7  }
0x10: {  	[smem:$0x3FAC] =	sst s8  }
0x11: {  	[smem:$0x3FAD] =	sst s9;
	s0 =	simm.s32 @!p0 $0x0  }
0x12: {  	s1 =	sld [smem:$0x3F93];
	s0 =	simm.s32 @p0 $0x1  }
0x13: {  	[smem:$0x3FAE] =	sst s0;
	s0 =	simm.s32 @!p1 $0x0  }
0x14: {  	s2 =	sld [smem:$0x3F92];
	s0 =	simm.s32 @p1 $0x1  }
0x15: {  	[smem:$0x3FAF] =	sst s0;
	s0 =	simm.s32 @!p2 $0x0  }
0x16: {  	s3 =	sld [smem:$0x3FDB];
	s0 =	simm.s32 @p2 $0x1  }
0x17: {  	s4 =	simm.s32 $0x1BF5;
	[smem:$0x3FB1] =	sst s0  }
0x18: {  	s0 =	sld [smem:$0x3F94];
	_ =	swait.ge [sflag:s4], $0x0  }
0x19: {  	s7 =	sld [smem:$0x3F95]  }
0x1a: {  	s8 =	sadd.s32 $0xFFFFE003, lr  }
0x1b: {  	s9 =	sadd.s32 $0xFFFFFEF7, lr;
	s5 =	simm.s32 $0xFFFFFFFF;
	p2 =	slt.u32 s8, $0xFFFFF086  }
0x1c: {  	p1 =	slt.u32 s9, $0xF7A;
	s5 =	simm.s32 @!p2 $0x0  }
0x1d: {  	s5 =	simm.s32 @p1 $0x1;
	p0 =	seq.s32 s7, s2  }
0x1e: {  	s7 =	smul.u32 @!p0 $0xF7A, s2;
	p2 =	seq.s32 @!p0 s5, $0x0  }
0x1f: {  	s9 =	smul.u32 $0xF7A, s1;
	s8 =	simm.s32 @!p0 $0x1BF5;
	p2 =	por !p2, p0  }
0x20: {  	[sflag:s8] =	ssyncset.s32 @!p0 $0xFFFFF086;
	s6 =	sadd.s32 @!p0 s3, s7;
	s7 =	simm.s32 @!p0 $0x108  }
0x21: {  	s3 =	sadd.s32 s3, s9;
	s6 =	sadd.s32 @!p0 $0x88, s6;
	s7 =	simm.s32 @p2 $0x1082  }
0x22: {  	[simem:s7], [sflag:s8] =	dma.local @!p0 [hbm:s6], $0xF7A  }
0x23: {  	s9 =	sor.u32 $0xD0000000, s2;
	s6 =	simm.s32 $0x108;
	_ =	swait.ge @!p0 [sflag:s8], $0x0  }
0x24: {  	s3 =	sadd.s32 $0x88, s3;
	s6 =	simm.s32 @!p1 $0x1082;
	[sflag:s4] =	ssyncset.s32 $0xFFFFF086  }
0x25: {  	[simem:s6], [sflag:s4] =	dma.local [hbm:s3], $0xF7A  }
0x26: {  	[smem:$0x3F95] =	sst s1;
	(tag) =	ssettag s2;
	_ =	strace s9  }
0x27: {  	s1 =	sld [smem:$0x3FA5]  }
0x28: {  	s2 =	sld [smem:$0x3FA6]  }
0x29: {  	s4 =	sld [smem:$0x3FA8]  }
0x2a: {  	p0 =	seq.s32 s5, $0x0;
	s5 =	sld [smem:$0x3FA9]  }
0x2b: {  	s6 =	sld [smem:$0x3FAA]  }
0x2c: {  	s7 =	sld [smem:$0x3FAB]  }
0x2d: {  	s3 =	simm.s32 $0x108;
	s8 =	sld [smem:$0x3FAC]  }
0x2e: {  	s3 =	simm.s32 @!p0 $0x1082;
	s9 =	sld [smem:$0x3FAD]  }
0x2f: {  	lr =	sadd.s32 s0, s3;
	s0 =	sld [smem:$0x3FA4]  }
0x30: {  	s3 =	sld [smem:$0x3FA7]  }
0x31: {  	[smem:$0x3FB0] =	sst s10  }
0x32: {  	s10 =	sld [smem:$0x3FAE];
	_ =	sdelay $0x3  }
0x33: {  	p0 =	seq.s32 s10, $0x1;
	s10 =	sld [smem:$0x3FB0];
	_ =	sdelay $0x3  }
0x34: {  	[smem:$0x3FB0] =	sst s10  }
0x35: {  	s10 =	sld [smem:$0x3FAF];
	_ =	sdelay $0x3  }
0x36: {  	p1 =	seq.s32 s10, $0x1;
	s10 =	sld [smem:$0x3FB0];
	_ =	sdelay $0x3  }
0x37: {  	[smem:$0x3FB0] =	sst s10  }
0x38: {  	s10 =	sld [smem:$0x3FB1]  }
0x39: {  	_ = 	snop;
	(pc) =	sbr.ind lr, $3  }
0x3a: {  	_ = 	snop  }
0x3b: {  	_ = 	snop  }
0x3c: {  	p2 =	seq.s32 s10, $0x1;
	s10 =	sld [smem:$0x3FB0]  }
0x3d: {  	_ =	shalt  }
0x3e: {  	_ =	shalt  }
0x3f: {  	_ =	shalt  }
0x40: {  	_ =	shalt  }
0x41: {  	_ =	shalt  }
0x42: {  	_ =	shalt  }
0x43: {  	_ =	shalt  }
0x44: {  	_ =	shalt  }
0x45: {  	_ =	shalt  }
0x46: {  	_ =	shalt  }
0x47: {  	_ =	shalt  }
0x48: {  	_ =	shalt  }
0x49: {  	_ =	shalt  }
0x4a: {  	_ =	shalt  }
0x4b: {  	_ =	shalt  }
0x4c: {  	_ =	shalt  }
0x4d: {  	_ =	shalt  }
0x4e: {  	_ =	shalt  }
0x4f: {  	_ =	shalt  }
0x50: {  	_ =	shalt  }
0x51: {  	_ =	shalt  }
0x52: {  	_ =	shalt  }
0x53: {  	_ =	shalt  }
0x54: {  	_ =	shalt  }
0x55: {  	_ =	shalt  }
0x56: {  	_ =	shalt  }
0x57: {  	_ =	shalt  }
0x58: {  	_ =	shalt  }
0x59: {  	_ =	shalt  }
0x5a: {  	_ =	shalt  }
0x5b: {  	_ =	shalt  }
0x5c: {  	_ =	shalt  }
0x5d: {  	_ =	shalt  }
0x5e: {  	_ =	shalt  }
0x5f: {  	_ =	shalt  }
0x60: {  	_ =	shalt  }
0x61: {  	_ =	shalt  }
0x62: {  	_ =	shalt  }
0x63: {  	_ =	shalt  }
0x64: {  	_ =	shalt  }
0x65: {  	_ =	shalt  }
0x66: {  	_ =	shalt  }
0x67: {  	_ =	shalt  }
0x68: {  	_ =	shalt  }
0x69: {  	_ =	shalt  }
0x6a: {  	_ =	shalt  }
0x6b: {  	_ =	shalt  }
0x6c: {  	_ =	shalt  }
0x6d: {  	_ =	shalt  }
0x6e: {  	_ =	shalt  }
0x6f: {  	_ =	shalt  }
0x70: {  	_ =	shalt  }
0x71: {  	_ =	shalt  }
0x72: {  	_ =	shalt  }
0x73: {  	_ =	shalt  }
0x74: {  	_ =	shalt  }
0x75: {  	_ =	shalt  }
0x76: {  	_ =	shalt  }
0x77: {  	_ =	shalt  }
0x78: {  	_ =	shalt  }
0x79: {  	_ =	shalt  }
0x7a: {  	_ =	shalt  }
0x7b: {  	_ =	shalt  }
0x7c: {  	_ =	shalt  }
0x7d: {  	_ =	shalt  }
0x7e: {  	_ =	shalt  }
0x7f: {  	_ =	shalt  }
0x80: {  	_ =	shalt  }
0x81: {  	_ =	shalt  }
0x82: {  	_ =	shalt  }
0x83: {  	_ =	shalt  }
0x84: {  	_ =	shalt  }
0x85: {  	_ =	shalt  }
0x86: {  	_ =	shalt  }
0x87: {  	_ =	shalt  }
.Lfunc_end0:
.L_simem_size_0:
called_computation_lowered:
.L_overlay_start_0:
0x88: {  	s2 =	sld [smem:$0x3FD9]  }
0x89: {  	s3 =	sld [smem:$0x3FFE];
	_ =	sdelay $0x1  }
0x8a: {  	s1 =	srdreg.scid  }
0x8b: {  	s0 =	sand.u32 $0x1, s1  }
0x8c: {  	s17 =	sshll.u32 s0, $0xA;
	s2 =	sadd.s32 s3, s2  }
0x8d: {  	s2 =	sadd.s32 s2, s17  }
0x8e: {  	[smem:$0x3FBC] =	sst s2  }
0x8f: {  	_ = 	snop  }
0x90: {  	s2 =	sld [smem:$0x3FC9]  }
0x91: {  	s18 =	sld [smem:$0x3FC8]  }
0x92: {  	s4 =	sld [smem:$0x3FC7]  }
0x93: {  	s5 =	sld [smem:$0x3FD0];
	(tm) =	ssettm $0x1  }
0x94: {  	s6 =	sld [smem:$0x3FFB];
	_ =	sdelay $0x3  }
0x95: {  	_ =	strace s6  }
0x96: {  	s6 =	sld [smem:$0x3FFC];
	_ =	sdelay $0x3  }
0x97: {  	_ =	strace s6  }
0x98: {  	s6 =	sld [smem:$0x3FFD];
	_ =	sdelay $0x3  }
0x99: {  	_ =	strace s6  }
0x9a: {  	_ =	strace $0x8FFFFFFF  }
0x9b: {  	s19 =	sld [smem:$0x3FDB];
	_ =	sdelay $0x1  }
0x9c: {  	s7 =	simm.s32 $_scs_section_size  }
0x9d: {  	s8 =	simm.s32 $_size__tile_overlayer_lowered;
	s9 =	simm.s32 $_tile_overlayer_lowered  }
0x9e: {  	s22 =	simm.s32 $0x1BFF;
	s21 =	sshll.u32 s9, $0x1;
	s6 =	sadd.s32 s7, s19  }
0x9f: {  	s10 =	simm.s32 $0x0;
	s20 =	sshll.u32 s8, $0x1;
	s8 =	sadd.s32 s21, s6  }
0xa0: {  	[timem:s10], [sflag:s22] =	dma.local [hbm:s8], s20  }
0xa1: {  	_ =	swait.ge [sflag:s22], s20  }
0xa2: {  	s7 =	ssub.s32 $0x0, s20;
	[sflag:s22] =	ssyncset.done $0x0  }
0xa3: {  	[sflag:s22] =	ssyncadd.s32 s7;
	_ =	sdelay $0x1  }
0xa4: {  	s23 =	simm.s32 $0x1B8B  }
0xa5: {  	_ =	swait.ge [sflag:s23], $0x1  }
0xa6: {  	[sflag:s23] =	ssyncset.done $0x0  }
0xa7: {  	s25 =	simm.s32 $0x1B8E;
	s24 =	sld [smem:$0x3FFE];
	[sflag:s23] =	ssyncadd.s32 $0xFFFFFFFF  }
0xa8: {  	s26 =	simm.s32 $execute0_lowered;
	[smem:$0x3FD2] =	sst s25  }
0xa9: {  	s8 =	sshll.u32 s26, $0x1;
	_ =	strace $0x80000046;
	[dreg:$0x1] =	wrdreg $0xFFFFFFFF  }
0xaa: {  	s28 =	simm.s32 $_size_execute0_lowered;
	s6 =	sadd.s32 s6, s8;
	[dreg:$0x0] =	wrdreg $0x0  }
0xab: {  	s8 =	sshll.u32 s28, $0x1;
	[dreg:$0x2] =	wrdreg s6  }
0xac: {  	[dreg:$0x3] =	wrdreg s8  }
0xad: {  	[dreg:$0x4] =	wrdreg $0xC0  }
0xae: {  	_ =	task [dreg:s10], $0x5FFFF  }
0xaf: {  	[dreg:$0x1] =	wrdreg $0xFFFFFFFF  }
0xb0: {  	[dreg:$0x0] =	wrdreg $0x60  }
0xb1: {  	[dreg:$0x2] =	wrdreg s2  }
0xb2: {  	[dreg:$0x3] =	wrdreg s18  }
0xb3: {  	[dreg:$0x4] =	wrdreg s4  }
0xb4: {  	[dreg:$0x5] =	wrdreg s24  }
0xb5: {  	[dreg:$0x6] =	wrdreg s5  }
0xb6: {  	[dreg:$0x7] =	wrdreg $0x9  }
0xb7: {  	_ =	task.clear_ibuf [dreg:s10], $0x8FFFF;
	_ =	strace $0x90000046  }
0xb8: {  	s29 =	simm.s32 $0x9;
	_ =	strace $0x8000005D  }
0xb9: {  	_ =	swait.ge [sflag:s29], $0x1  }
0xba: {  	[sflag:s29] =	ssyncadd.s32 $0xFFFFFFFF  }
0xbb: {  	_ =	strace $0x9000005D  }
0xbc: {  	_ =	sfence  }
0xbd: {  	s30 =	sld [smem:$0x0];
	_ =	sdelay $0x2  }
0xbe: {  	s31 =	sshll.u32 s1, $0xD;
	s1 =	sshrl.u32 s1, $0x2  }
0xbf: {  	s3 =	sand.u32 $0x4000, s31;
	s1 =	sadd.s32 s1, s30  }
0xc0: {  	s0 =	sor.u32 s3, s0;
	s1 =	sshll.u32 s1, $0x11  }
0xc1: {  	s0 =	sor.u32 s1, s0  }
0xc2: {  	s0 =	sadd.s32 $0x8F2B, s0  }
0xc3: {  	[sflag:s0] =	ssyncadd.remote.s32 $0x1  }
0xc4: {  	_ =	sfence.sel $0xFFFF  }
0xc5: {  	[dreg:$0x0] =	wrdreg $0xFFFFFFFF;
	(pc) =	sbr.abs _section_cstart, $3  }
0xc6: {  	[dreg:$0x1] =	wrdreg $0xFFFFFFFF  }
0xc7: {  	_ =	task.clear_ibuf [dreg:s10], $0x2FFFF;
	_ =	strace $0x9FFFFFFF  }
0xc8: {  	(tm) =	ssettm $0x7FFFFFFF  }
0xc9: {  	_ =	shalt  }
tec
execute0_lowered:
.L_overlay_start_1:
0x0: {  	(tag) =	ssettag $0x1  }
0x1: {  	s1 =	rddreg [dreg:$0x0]  }
0x2: {  	s21 =	rddreg [dreg:$0x1]  }
0x3: {  	s7 =	rddreg [dreg:$0x2];
	s0 =	srdreg.scid  }
0x4: {  	s18 =	rddreg [dreg:$0x3];
	s0 =	sand.u32 $0x1, s0  }
0x5: {  	s4 =	stileid.u32;
	[dreg:$0xd] =	wrdreg s0;
	s0 =	sshll.u32 s0, $0x4  }
0x6: {  	s2 =	rddreg [dreg:$0x4];
	s3 =	simm.s32 $0x0;
	s17 =	sor.u32 s4, s0  }
0x7: {  	[smem:$0x7FF] =	sst s3;
	s15 =	sadd.s32 $0x11800, s18;
	s5 =	sshll.u32 s17, $0x6  }
0x8: {  	_ =	strace $0x80000047;
	s25 =	sshll.u32 s17, $0xA;
	s6 =	sadd.s32 s21, s5  }
0x9: {  	s4 =	sadd.s32 s1, s5;
	s5 =	sadd.s32 s7, s5;
	[dreg:$0x6] =	wrdreg s6  }
0xa: {  	s7 =	sadd.s32 s15, s25;
	[dreg:$0x7] =	wrdreg s5  }
0xb: {  	s0 =	sshll.u32 s17, $0x2;
	s6 =	sadd.s32 $0x10, s4;
	[dreg:$0x9] =	wrdreg s7  }
0xc: {  	s16 =	sor.u32 $0x1, s0;
	s8 =	sadd.s32 $0x20, s4;
	[dreg:$0x8] =	wrdreg s6  }
0xd: {  	s28 =	sshll.u32 s16, $0x8;
	s10 =	sadd.s32 $0x30, s4;
	[dreg:$0xa] =	wrdreg s8  }
0xe: {  	s9 =	sadd.s32 s15, s28;
	[dreg:$0xc] =	wrdreg s10  }
0xf: {  	[dreg:$0xb] =	wrdreg s9  }
0x10: {  	_ =	strace $0x80000048  }
0x11: {  	[tilespmem:s3], [sflag:$0x1] =	stream.linear.gather [hbm4b:s4+s3], $0x80, $0x200038;
	[tilespmem:$0x1100] =	vst v63  }
0x12: {  	_ =	strace $0x90000048  }
0x13: {  	_ =	strace $0x80000049  }
0x14: {  	s5 =	simm.s32 $0x80;
	s11 =	rddreg [dreg:$0x8]  }
0x15: {  	[tilespmem:s5], [sflag:$0x2] =	stream.linear.gather [hbm4b:s11+s3], $0x80, $0x200038;
	[tilespmem:$0x1100] =	vst v63  }
0x16: {  	_ =	strace $0x90000049  }
0x17: {  	s6 =	simm.s32 $0x1;
	_ =	strace $0x8000004A  }
0x18: {  	_ =	swait.ge [sflag:s6], $0x80  }
0x19: {  	[sflag:s6] =	ssyncset.done $0x0  }
0x1a: {  	[sflag:s6] =	ssyncadd.s32 $0xFFFFFF80  }
0x1b: {  	s7 =	sadd.s32 $0xF43C00, s18;
	_ =	strace $0x9000004A  }
0x1c: {  	s8 =	simm.s32 $0x100;
	s9 =	simm.s32 $0x5;
	_ =	strace $0x8000004B  }
0x1d: {  	[tilespmem:s8], [sflag:$0x5] =	stream.indirect.gather [hbm4b:s7+s5], $0x10, s3, s5, $0x2000b8;
	[tilespmem:$0x1100] =	vst v63  }
0x1e: {  	_ =	swait.ge [sflag:s9], $0x800  }
0x1f: {  	[sflag:s9] =	ssyncset.done $0x0  }
0x20: {  	[sflag:s9] =	ssyncadd.s32 $0xFFFFF800  }
0x21: {  	_ =	strace $0x9000004B  }
0x22: {  	_ =	strace $0x8000004C  }
0x23: {  	s12 =	rddreg [dreg:$0x9]  }
0x24: {  	[hbm4b:s12+s3] =	stream.linear.scatter [tilespmem:s8], [sflag:$0x3], $0x800, $0x200038;
	[tilespmem:$0x1100] =	vst v63  }
0x25: {  	_ =	strace $0x9000004C  }
0x26: {  	_ =	strace $0x80000049  }
0x27: {  	s13 =	rddreg [dreg:$0xa]  }
0x28: {  	[tilespmem:s3], [sflag:$0x1] =	stream.linear.gather [hbm4b:s13+s3], $0x80, $0x200038;
	[tilespmem:$0x1100] =	vst v63  }
0x29: {  	_ =	strace $0x90000049  }
0x2a: {  	s10 =	simm.s32 $0x2;
	_ =	strace $0x8000004A  }
0x2b: {  	_ =	swait.ge [sflag:s10], $0x80  }
0x2c: {  	[sflag:s10] =	ssyncset.done $0x0  }
0x2d: {  	[sflag:s10] =	ssyncadd.s32 $0xFFFFFF80  }
0x2e: {  	_ =	strace $0x9000004A  }
0x2f: {  	s11 =	simm.s32 $0x900;
	_ =	strace $0x8000004B  }
0x30: {  	[tilespmem:s11], [sflag:$0x5] =	stream.indirect.gather [hbm4b:s7+s5], $0x10, s5, s5, $0x2000b8;
	[tilespmem:$0x1100] =	vst v63  }
0x31: {  	_ =	swait.ge [sflag:s9], $0x800  }
0x32: {  	[sflag:s9] =	ssyncset.done $0x0  }
0x33: {  	[sflag:s9] =	ssyncadd.s32 $0xFFFFF800  }
0x34: {  	_ =	strace $0x9000004B  }
0x35: {  	_ =	strace $0x8000004C  }
0x36: {  	s14 =	rddreg [dreg:$0xb]  }
0x37: {  	[hbm4b:s14+s3] =	stream.linear.scatter [tilespmem:s11], [sflag:$0x4], $0x800, $0x200038;
	[tilespmem:$0x1100] =	vst v63  }
0x38: {  	_ =	strace $0x9000004C  }
0x39: {  	s12 =	simm.s32 $0x3;
	_ =	strace $0x8000004D  }
0x3a: {  	_ =	swait.ge [sflag:s12], $0x800  }
0x3b: {  	[sflag:s12] =	ssyncset.done $0x0  }
0x3c: {  	[sflag:s12] =	ssyncadd.s32 $0xFFFFF800  }
0x3d: {  	_ =	strace $0x9000004D  }
0x3e: {  	_ =	strace $0x80000049  }
0x3f: {  	s19 =	rddreg [dreg:$0xc]  }
0x40: {  	[tilespmem:s5], [sflag:$0x2] =	stream.linear.gather [hbm4b:s19+s3], $0x80, $0x200038;
	[tilespmem:$0x1100] =	vst v63  }
0x41: {  	_ =	strace $0x90000049  }
0x42: {  	_ =	strace $0x8000004A  }
0x43: {  	_ =	swait.ge [sflag:s6], $0x80  }
0x44: {  	[sflag:s6] =	ssyncset.done $0x0  }
0x45: {  	[sflag:s6] =	ssyncadd.s32 $0xFFFFFF80  }
0x46: {  	_ =	strace $0x9000004A  }
0x47: {  	_ =	strace $0x8000004B  }
0x48: {  	[tilespmem:s8], [sflag:$0x5] =	stream.indirect.gather [hbm4b:s7+s5], $0x10, s3, s5, $0x2000b8;
	[tilespmem:$0x1100] =	vst v63  }
0x49: {  	_ =	swait.ge [sflag:s9], $0x800  }
0x4a: {  	[sflag:s9] =	ssyncset.done $0x0  }
0x4b: {  	s20 =	sor.u32 $0x2, s0;
	[sflag:s9] =	ssyncadd.s32 $0xFFFFF800  }
0x4c: {  	s30 =	sshll.u32 s20, $0x8;
	_ =	strace $0x9000004B  }
0x4d: {  	s13 =	sadd.s32 s15, s30;
	_ =	strace $0x8000004C  }
0x4e: {  	[hbm4b:s13+s3] =	stream.linear.scatter [tilespmem:s8], [sflag:$0x3], $0x800, $0x200038;
	[tilespmem:$0x1100] =	vst v63  }
0x4f: {  	_ =	strace $0x9000004C  }
0x50: {  	s14 =	simm.s32 $0x4;
	_ =	strace $0x8000004D  }
0x51: {  	_ =	swait.ge [sflag:s14], $0x800  }
0x52: {  	[sflag:s14] =	ssyncset.done $0x0  }
0x53: {  	[sflag:s14] =	ssyncadd.s32 $0xFFFFF800  }
0x54: {  	_ =	strace $0x9000004D  }
0x55: {  	_ =	strace $0x8000004A  }
0x56: {  	_ =	swait.ge [sflag:s10], $0x80  }
0x57: {  	[sflag:s10] =	ssyncset.done $0x0  }
0x58: {  	[sflag:s10] =	ssyncadd.s32 $0xFFFFFF80  }
0x59: {  	_ =	strace $0x9000004A  }
0x5a: {  	_ =	strace $0x8000004B  }
0x5b: {  	[tilespmem:s11], [sflag:$0x5] =	stream.indirect.gather [hbm4b:s7+s5], $0x10, s5, s5, $0x2000b8;
	[tilespmem:$0x1100] =	vst v63  }
0x5c: {  	_ =	swait.ge [sflag:s9], $0x800  }
0x5d: {  	[sflag:s9] =	ssyncset.done $0x0  }
0x5e: {  	s22 =	sshllo.u32 s17, $0x2;
	[sflag:s9] =	ssyncadd.s32 $0xFFFFF800  }
0x5f: {  	s31 =	sshll.u32 s22, $0x8;
	_ =	strace $0x9000004B  }
0x60: {  	s15 =	sadd.s32 s15, s31;
	_ =	strace $0x8000004C  }
0x61: {  	[hbm4b:s15+s3] =	stream.linear.scatter [tilespmem:s11], [sflag:$0x4], $0x800, $0x200038;
	[tilespmem:$0x1100] =	vst v63  }
0x62: {  	_ =	strace $0x9000004C  }
0x63: {  	_ =	strace $0x8000004D  }
0x64: {  	_ =	swait.ge [sflag:s12], $0x800  }
0x65: {  	[sflag:s12] =	ssyncset.done $0x0  }
0x66: {  	[sflag:s12] =	ssyncadd.s32 $0xFFFFF800  }
0x67: {  	_ =	strace $0x9000004D  }
0x68: {  	_ =	strace $0x8000004E  }
0x69: {  	_ =	swait.ge [sflag:s14], $0x800  }
0x6a: {  	[sflag:s14] =	ssyncset.done $0x0  }
0x6b: {  	[sflag:s14] =	ssyncadd.s32 $0xFFFFF800  }
0x6c: {  	_ =	strace $0x9000004E  }
0x6d: {  	_ =	strace $0x8000004F  }
0x6e: {  	s26 =	rddreg [dreg:$0x6]  }
0x6f: {  	[tilespmem:s3], [sflag:$0x1] =	stream.linear.gather [hbm4b:s26+s3], $0x80, $0x200038;
	[tilespmem:$0x1100] =	vst v63  }
0x70: {  	s24 =	sshll.u32 s16, $0x4;
	_ =	strace $0x9000004F  }
0x71: {  	s16 =	sadd.s32 s21, s24;
	_ =	strace $0x80000050  }
0x72: {  	[tilespmem:s5], [sflag:$0x2] =	stream.linear.gather [hbm4b:s16+s3], $0x80, $0x200038;
	[tilespmem:$0x1100] =	vst v63  }
0x73: {  	_ =	strace $0x90000050  }
0x74: {  	_ =	strace $0x80000051  }
0x75: {  	_ =	swait.ge [sflag:s6], $0x80  }
0x76: {  	[sflag:s6] =	ssyncset.done $0x0  }
0x77: {  	[sflag:s6] =	ssyncadd.s32 $0xFFFFFF80  }
0x78: {  	_ =	strace $0x90000051  }
0x79: {  	s17 =	sadd.s32 $0x188200, s18;
	_ =	strace $0x80000052  }
0x7a: {  	[tilespmem:s8], [sflag:$0x5] =	stream.indirect.gather [hbm4b:s17+s5], $0x10, s3, s5, $0x2000b8;
	[tilespmem:$0x1100] =	vst v63  }
0x7b: {  	_ =	swait.ge [sflag:s9], $0x800  }
0x7c: {  	[sflag:s9] =	ssyncset.done $0x0  }
0x7d: {  	[sflag:s9] =	ssyncadd.s32 $0xFFFFF800  }
0x7e: {  	s23 =	sadd.s32 $0x9800, s18;
	_ =	strace $0x90000052  }
0x7f: {  	s18 =	sadd.s32 s23, s25;
	_ =	strace $0x80000053  }
0x80: {  	[hbm4b:s18+s3] =	stream.linear.scatter [tilespmem:s8], [sflag:$0x3], $0x800, $0x200038;
	[tilespmem:$0x1100] =	vst v63  }
0x81: {  	s26 =	sshll.u32 s20, $0x4;
	_ =	strace $0x90000053  }
0x82: {  	s19 =	sadd.s32 s21, s26;
	_ =	strace $0x80000050  }
0x83: {  	[tilespmem:s3], [sflag:$0x1] =	stream.linear.gather [hbm4b:s19+s3], $0x80, $0x200038;
	[tilespmem:$0x1100] =	vst v63  }
0x84: {  	_ =	strace $0x90000050  }
0x85: {  	_ =	strace $0x80000051  }
0x86: {  	_ =	swait.ge [sflag:s10], $0x80  }
0x87: {  	[sflag:s10] =	ssyncset.done $0x0  }
0x88: {  	[sflag:s10] =	ssyncadd.s32 $0xFFFFFF80  }
0x89: {  	_ =	strace $0x90000051  }
0x8a: {  	_ =	strace $0x80000052  }
0x8b: {  	[tilespmem:s11], [sflag:$0x5] =	stream.indirect.gather [hbm4b:s17+s5], $0x10, s5, s5, $0x2000b8;
	[tilespmem:$0x1100] =	vst v63  }
0x8c: {  	_ =	swait.ge [sflag:s9], $0x800  }
0x8d: {  	[sflag:s9] =	ssyncset.done $0x0  }
0x8e: {  	[sflag:s9] =	ssyncadd.s32 $0xFFFFF800  }
0x8f: {  	_ =	strace $0x90000052  }
0x90: {  	s20 =	sadd.s32 s23, s28;
	_ =	strace $0x80000053  }
0x91: {  	[hbm4b:s20+s3] =	stream.linear.scatter [tilespmem:s11], [sflag:$0x4], $0x800, $0x200038;
	[tilespmem:$0x1100] =	vst v63  }
0x92: {  	_ =	strace $0x90000053  }
0x93: {  	_ =	strace $0x80000054  }
0x94: {  	_ =	swait.ge [sflag:s12], $0x800  }
0x95: {  	[sflag:s12] =	ssyncset.done $0x0  }
0x96: {  	[sflag:s12] =	ssyncadd.s32 $0xFFFFF800  }
0x97: {  	s29 =	sshll.u32 s22, $0x4;
	_ =	strace $0x90000054  }
0x98: {  	s21 =	sadd.s32 s21, s29;
	_ =	strace $0x80000050  }
0x99: {  	[tilespmem:s5], [sflag:$0x2] =	stream.linear.gather [hbm4b:s21+s3], $0x80, $0x200038;
	[tilespmem:$0x1100] =	vst v63  }
0x9a: {  	_ =	strace $0x90000050  }
0x9b: {  	_ =	strace $0x80000051  }
0x9c: {  	_ =	swait.ge [sflag:s6], $0x80  }
0x9d: {  	[sflag:s6] =	ssyncset.done $0x0  }
0x9e: {  	[sflag:s6] =	ssyncadd.s32 $0xFFFFFF80  }
0x9f: {  	_ =	strace $0x90000051  }
0xa0: {  	_ =	strace $0x80000052  }
0xa1: {  	[tilespmem:s8], [sflag:$0x5] =	stream.indirect.gather [hbm4b:s17+s5], $0x10, s3, s5, $0x2000b8;
	[tilespmem:$0x1100] =	vst v63  }
0xa2: {  	_ =	swait.ge [sflag:s9], $0x800  }
0xa3: {  	[sflag:s9] =	ssyncset.done $0x0  }
0xa4: {  	[sflag:s9] =	ssyncadd.s32 $0xFFFFF800  }
0xa5: {  	_ =	strace $0x90000052  }
0xa6: {  	s22 =	sadd.s32 s23, s30;
	_ =	strace $0x80000053  }
0xa7: {  	[hbm4b:s22+s3] =	stream.linear.scatter [tilespmem:s8], [sflag:$0x3], $0x800, $0x200038;
	[tilespmem:$0x1100] =	vst v63  }
0xa8: {  	_ =	strace $0x90000053  }
0xa9: {  	_ =	strace $0x80000054  }
0xaa: {  	_ =	swait.ge [sflag:s14], $0x800  }
0xab: {  	[sflag:s14] =	ssyncset.done $0x0  }
0xac: {  	[sflag:s14] =	ssyncadd.s32 $0xFFFFF800  }
0xad: {  	_ =	strace $0x90000054  }
0xae: {  	_ =	strace $0x80000051  }
0xaf: {  	_ =	swait.ge [sflag:s10], $0x80  }
0xb0: {  	[sflag:s10] =	ssyncset.done $0x0  }
0xb1: {  	[sflag:s10] =	ssyncadd.s32 $0xFFFFFF80  }
0xb2: {  	_ =	strace $0x90000051  }
0xb3: {  	_ =	strace $0x80000052  }
0xb4: {  	[tilespmem:s11], [sflag:$0x5] =	stream.indirect.gather [hbm4b:s17+s5], $0x10, s5, s5, $0x2000b8;
	[tilespmem:$0x1100] =	vst v63  }
0xb5: {  	_ =	swait.ge [sflag:s9], $0x800  }
0xb6: {  	[sflag:s9] =	ssyncset.done $0x0  }
0xb7: {  	[sflag:s9] =	ssyncadd.s32 $0xFFFFF800  }
0xb8: {  	_ =	strace $0x90000052  }
0xb9: {  	s23 =	sadd.s32 s23, s31;
	_ =	strace $0x80000053  }
0xba: {  	[hbm4b:s23+s3] =	stream.linear.scatter [tilespmem:s11], [sflag:$0x4], $0x800, $0x200038;
	[tilespmem:$0x1100] =	vst v63  }
0xbb: {  	_ =	strace $0x90000053  }
0xbc: {  	_ =	strace $0x80000054  }
0xbd: {  	_ =	swait.ge [sflag:s12], $0x800  }
0xbe: {  	[sflag:s12] =	ssyncset.done $0x0  }
0xbf: {  	[sflag:s12] =	ssyncadd.s32 $0xFFFFF800  }
0xc0: {  	_ =	strace $0x90000054  }
0xc1: {  	_ =	strace $0x80000055  }
0xc2: {  	_ =	swait.ge [sflag:s14], $0x800  }
0xc3: {  	[sflag:s14] =	ssyncset.done $0x0  }
0xc4: {  	[sflag:s14] =	ssyncadd.s32 $0xFFFFF800  }
0xc5: {  	_ =	strace $0x90000055  }
0xc6: {  	_ =	strace $0x80000056  }
0xc7: {  	s1 =	rddreg [dreg:$0x7]  }
0xc8: {  	[tilespmem:s3], [sflag:$0x1] =	stream.linear.gather [hbm4b:s1+s3], $0x80, $0x200038;
	[tilespmem:$0x1100] =	vst v63  }
0xc9: {  	_ =	strace $0x90000056  }
0xca: {  	s1 =	rddreg [dreg:$0x2]  }
0xcb: {  	_ =	strace $0x80000057;
	s24 =	sadd.s32 s1, s24  }
0xcc: {  	[tilespmem:s5], [sflag:$0x2] =	stream.linear.gather [hbm4b:s24+s3], $0x80, $0x200038;
	[tilespmem:$0x1100] =	vst v63  }
0xcd: {  	_ =	strace $0x90000057  }
0xce: {  	_ =	strace $0x80000058  }
0xcf: {  	_ =	swait.ge [sflag:s6], $0x80  }
0xd0: {  	[sflag:s6] =	ssyncset.done $0x0  }
0xd1: {  	[sflag:s6] =	ssyncadd.s32 $0xFFFFFF80  }
0xd2: {  	_ =	strace $0x90000058  }
0xd3: {  	_ =	strace $0x80000059  }
0xd4: {  	[tilespmem:s8], [sflag:$0x5] =	stream.indirect.gather [hbm4b:s2+s5], $0x10, s3, s5, $0x2000b8;
	[tilespmem:$0x1100] =	vst v63  }
0xd5: {  	_ =	swait.ge [sflag:s9], $0x800  }
0xd6: {  	[sflag:s9] =	ssyncset.done $0x0  }
0xd7: {  	[sflag:s9] =	ssyncadd.s32 $0xFFFFF800  }
0xd8: {  	s0 =	rddreg [dreg:$0x3]  }
0xd9: {  	_ =	strace $0x90000059;
	s0 =	sadd.s32 $0x1800, s0  }
0xda: {  	_ =	strace $0x8000005A;
	s25 =	sadd.s32 s0, s25  }
0xdb: {  	[hbm4b:s25+s3] =	stream.linear.scatter [tilespmem:s8], [sflag:$0x3], $0x800, $0x200038;
	[tilespmem:$0x1100] =	vst v63  }
0xdc: {  	_ =	strace $0x9000005A  }
0xdd: {  	s26 =	sadd.s32 s1, s26;
	_ =	strace $0x80000057  }
0xde: {  	[tilespmem:s3], [sflag:$0x1] =	stream.linear.gather [hbm4b:s26+s3], $0x80, $0x200038;
	[tilespmem:$0x1100] =	vst v63  }
0xdf: {  	_ =	strace $0x90000057  }
0xe0: {  	_ =	strace $0x80000058  }
0xe1: {  	_ =	swait.ge [sflag:s10], $0x80  }
0xe2: {  	[sflag:s10] =	ssyncset.done $0x0  }
0xe3: {  	[sflag:s10] =	ssyncadd.s32 $0xFFFFFF80  }
0xe4: {  	_ =	strace $0x90000058  }
0xe5: {  	_ =	strace $0x80000059  }
0xe6: {  	[tilespmem:s11], [sflag:$0x5] =	stream.indirect.gather [hbm4b:s2+s5], $0x10, s5, s5, $0x2000b8;
	[tilespmem:$0x1100] =	vst v63  }
0xe7: {  	_ =	swait.ge [sflag:s9], $0x800  }
0xe8: {  	[sflag:s9] =	ssyncset.done $0x0  }
0xe9: {  	[sflag:s9] =	ssyncadd.s32 $0xFFFFF800  }
0xea: {  	_ =	strace $0x90000059  }
0xeb: {  	s28 =	sadd.s32 s0, s28;
	_ =	strace $0x8000005A  }
0xec: {  	[hbm4b:s28+s3] =	stream.linear.scatter [tilespmem:s11], [sflag:$0x4], $0x800, $0x200038;
	[tilespmem:$0x1100] =	vst v63  }
0xed: {  	_ =	strace $0x9000005A  }
0xee: {  	_ =	strace $0x8000005B  }
0xef: {  	_ =	swait.ge [sflag:s12], $0x800  }
0xf0: {  	[sflag:s12] =	ssyncset.done $0x0  }
0xf1: {  	[sflag:s12] =	ssyncadd.s32 $0xFFFFF800  }
0xf2: {  	_ =	strace $0x9000005B  }
0xf3: {  	s29 =	sadd.s32 s1, s29;
	_ =	strace $0x80000057  }
0xf4: {  	[tilespmem:s5], [sflag:$0x2] =	stream.linear.gather [hbm4b:s29+s3], $0x80, $0x200038;
	[tilespmem:$0x1100] =	vst v63  }
0xf5: {  	_ =	strace $0x90000057  }
0xf6: {  	_ =	strace $0x80000058  }
0xf7: {  	_ =	swait.ge [sflag:s6], $0x80  }
0xf8: {  	[sflag:s6] =	ssyncset.done $0x0  }
0xf9: {  	[sflag:s6] =	ssyncadd.s32 $0xFFFFFF80  }
0xfa: {  	_ =	strace $0x90000058  }
0xfb: {  	_ =	strace $0x80000059  }
0xfc: {  	[tilespmem:s8], [sflag:$0x5] =	stream.indirect.gather [hbm4b:s2+s5], $0x10, s3, s5, $0x2000b8;
	[tilespmem:$0x1100] =	vst v63  }
0xfd: {  	_ =	swait.ge [sflag:s9], $0x800  }
0xfe: {  	[sflag:s9] =	ssyncset.done $0x0  }
0xff: {  	[sflag:s9] =	ssyncadd.s32 $0xFFFFF800  }
0x100: {  	_ =	strace $0x90000059  }
0x101: {  	s30 =	sadd.s32 s0, s30;
	_ =	strace $0x8000005A  }
0x102: {  	[hbm4b:s30+s3] =	stream.linear.scatter [tilespmem:s8], [sflag:$0x3], $0x800, $0x200038;
	[tilespmem:$0x1100] =	vst v63  }
0x103: {  	_ =	strace $0x9000005A  }
0x104: {  	_ =	strace $0x8000005B  }
0x105: {  	_ =	swait.ge [sflag:s14], $0x800  }
0x106: {  	[sflag:s14] =	ssyncset.done $0x0  }
0x107: {  	[sflag:s14] =	ssyncadd.s32 $0xFFFFF800  }
0x108: {  	_ =	strace $0x9000005B  }
0x109: {  	_ =	strace $0x80000058  }
0x10a: {  	_ =	swait.ge [sflag:s10], $0x80  }
0x10b: {  	[sflag:s10] =	ssyncset.done $0x0  }
0x10c: {  	[sflag:s10] =	ssyncadd.s32 $0xFFFFFF80  }
0x10d: {  	_ =	strace $0x90000058  }
0x10e: {  	_ =	strace $0x80000059  }
0x10f: {  	[tilespmem:s11], [sflag:$0x5] =	stream.indirect.gather [hbm4b:s2+s5], $0x10, s5, s5, $0x2000b8;
	[tilespmem:$0x1100] =	vst v63  }
0x110: {  	_ =	swait.ge [sflag:s9], $0x800  }
0x111: {  	[sflag:s9] =	ssyncset.done $0x0  }
0x112: {  	[sflag:s9] =	ssyncadd.s32 $0xFFFFF800  }
0x113: {  	_ =	strace $0x90000059  }
0x114: {  	s31 =	sadd.s32 s0, s31;
	_ =	strace $0x8000005A  }
0x115: {  	[hbm4b:s31+s3] =	stream.linear.scatter [tilespmem:s11], [sflag:$0x4], $0x800, $0x200038;
	[tilespmem:$0x1100] =	vst v63  }
0x116: {  	_ =	strace $0x9000005A  }
0x117: {  	_ =	strace $0x8000005B  }
0x118: {  	_ =	swait.ge [sflag:s12], $0x800  }
0x119: {  	s1 =	rddreg [dreg:$0xd]  }
0x11a: {  	s0 =	ssub.s32 $0x2, s1  }
0x11b: {  	s1 =	sshrl.u32 s0, $0x1  }
0x11c: {  	s0 =	ssub.s32 s0, s1  }
0x11d: {  	[sflag:s12] =	ssyncset.done $0x0;
	s0 =	smax.u32 s0, $0x1  }
0x11e: {  	[sflag:s12] =	ssyncadd.s32 $0xFFFFF800;
	p0 =	sne.s32 s0, $0x1  }
.Ltmp0:
0x11f: {  	_ =	strace $0x9000005B;
	(pc) =	sbr.rel @!p0 .LBB2_2-.Ltmp0, $4  }
0x120: {  	_ =	strace $0x8000005C  }
0x121: {  	_ =	swait.ge [sflag:s14], $0x800  }
0x122: {  	[sflag:s14] =	ssyncset.done $0x0  }
0x123: {  	s0 =	sadd.s32 $0xFFFFFFFF, s0;
	[sflag:s14] =	ssyncadd.s32 $0xFFFFF800  }
.LBB2_1:
0x124: {  	_ =	strace $0x9000005C  }
0x125: {  	_ =	strace $0x80000048  }
0x126: {  	[tilespmem:s3], [sflag:$0x1] =	stream.linear.gather [hbm4b:s4+s3], $0x80, $0x200038;
	[tilespmem:$0x1100] =	vst v63  }
0x127: {  	_ =	strace $0x90000048  }
0x128: {  	_ =	strace $0x80000049  }
0x129: {  	s1 =	rddreg [dreg:$0x8]  }
0x12a: {  	[tilespmem:s5], [sflag:$0x2] =	stream.linear.gather [hbm4b:s1+s3], $0x80, $0x200038;
	[tilespmem:$0x1100] =	vst v63  }
0x12b: {  	_ =	strace $0x90000049  }
0x12c: {  	_ =	strace $0x8000004A  }
0x12d: {  	_ =	swait.ge [sflag:s6], $0x80  }
0x12e: {  	[sflag:s6] =	ssyncset.done $0x0  }
0x12f: {  	[sflag:s6] =	ssyncadd.s32 $0xFFFFFF80  }
0x130: {  	_ =	strace $0x9000004A  }
0x131: {  	_ =	strace $0x8000004B  }
0x132: {  	[tilespmem:s8], [sflag:$0x5] =	stream.indirect.gather [hbm4b:s7+s5], $0x10, s3, s5, $0x2000b8;
	[tilespmem:$0x1100] =	vst v63  }
0x133: {  	_ =	swait.ge [sflag:s9], $0x800  }
0x134: {  	[sflag:s9] =	ssyncset.done $0x0  }
0x135: {  	[sflag:s9] =	ssyncadd.s32 $0xFFFFF800  }
0x136: {  	_ =	strace $0x9000004B  }
0x137: {  	_ =	strace $0x8000004C  }
0x138: {  	s1 =	rddreg [dreg:$0x9]  }
0x139: {  	[hbm4b:s1+s3] =	stream.linear.scatter [tilespmem:s8], [sflag:$0x3], $0x800, $0x200038;
	[tilespmem:$0x1100] =	vst v63  }
0x13a: {  	_ =	strace $0x9000004C  }
0x13b: {  	_ =	strace $0x80000049  }
0x13c: {  	s1 =	rddreg [dreg:$0xa]  }
0x13d: {  	[tilespmem:s3], [sflag:$0x1] =	stream.linear.gather [hbm4b:s1+s3], $0x80, $0x200038;
	[tilespmem:$0x1100] =	vst v63  }
0x13e: {  	_ =	strace $0x90000049  }
0x13f: {  	_ =	strace $0x8000004A  }
0x140: {  	_ =	swait.ge [sflag:s10], $0x80  }
0x141: {  	[sflag:s10] =	ssyncset.done $0x0  }
0x142: {  	[sflag:s10] =	ssyncadd.s32 $0xFFFFFF80  }
0x143: {  	_ =	strace $0x9000004A  }
0x144: {  	_ =	strace $0x8000004B  }
0x145: {  	[tilespmem:s11], [sflag:$0x5] =	stream.indirect.gather [hbm4b:s7+s5], $0x10, s5, s5, $0x2000b8;
	[tilespmem:$0x1100] =	vst v63  }
0x146: {  	_ =	swait.ge [sflag:s9], $0x800  }
0x147: {  	[sflag:s9] =	ssyncset.done $0x0  }
0x148: {  	[sflag:s9] =	ssyncadd.s32 $0xFFFFF800  }
0x149: {  	_ =	strace $0x9000004B  }
0x14a: {  	_ =	strace $0x8000004C  }
0x14b: {  	s1 =	rddreg [dreg:$0xb]  }
0x14c: {  	[hbm4b:s1+s3] =	stream.linear.scatter [tilespmem:s11], [sflag:$0x4], $0x800, $0x200038;
	[tilespmem:$0x1100] =	vst v63  }
0x14d: {  	_ =	strace $0x9000004C  }
0x14e: {  	_ =	strace $0x8000004D  }
0x14f: {  	_ =	swait.ge [sflag:s12], $0x800  }
0x150: {  	[sflag:s12] =	ssyncset.done $0x0  }
0x151: {  	[sflag:s12] =	ssyncadd.s32 $0xFFFFF800  }
0x152: {  	_ =	strace $0x9000004D  }
0x153: {  	_ =	strace $0x80000049  }
0x154: {  	s1 =	rddreg [dreg:$0xc]  }
0x155: {  	[tilespmem:s5], [sflag:$0x2] =	stream.linear.gather [hbm4b:s1+s3], $0x80, $0x200038;
	[tilespmem:$0x1100] =	vst v63  }
0x156: {  	_ =	strace $0x90000049  }
0x157: {  	_ =	strace $0x8000004A  }
0x158: {  	_ =	swait.ge [sflag:s6], $0x80  }
0x159: {  	[sflag:s6] =	ssyncset.done $0x0  }
0x15a: {  	[sflag:s6] =	ssyncadd.s32 $0xFFFFFF80  }
0x15b: {  	_ =	strace $0x9000004A  }
0x15c: {  	_ =	strace $0x8000004B  }
0x15d: {  	[tilespmem:s8], [sflag:$0x5] =	stream.indirect.gather [hbm4b:s7+s5], $0x10, s3, s5, $0x2000b8;
	[tilespmem:$0x1100] =	vst v63  }
0x15e: {  	_ =	swait.ge [sflag:s9], $0x800  }
0x15f: {  	[sflag:s9] =	ssyncset.done $0x0  }
0x160: {  	[sflag:s9] =	ssyncadd.s32 $0xFFFFF800  }
0x161: {  	_ =	strace $0x9000004B  }
0x162: {  	_ =	strace $0x8000004C  }
0x163: {  	[hbm4b:s13+s3] =	stream.linear.scatter [tilespmem:s8], [sflag:$0x3], $0x800, $0x200038;
	[tilespmem:$0x1100] =	vst v63  }
0x164: {  	_ =	strace $0x9000004C  }
0x165: {  	_ =	strace $0x8000004D  }
0x166: {  	_ =	swait.ge [sflag:s14], $0x800  }
0x167: {  	[sflag:s14] =	ssyncset.done $0x0  }
0x168: {  	[sflag:s14] =	ssyncadd.s32 $0xFFFFF800  }
0x169: {  	_ =	strace $0x9000004D  }
0x16a: {  	_ =	strace $0x8000004A  }
0x16b: {  	_ =	swait.ge [sflag:s10], $0x80  }
0x16c: {  	[sflag:s10] =	ssyncset.done $0x0  }
0x16d: {  	[sflag:s10] =	ssyncadd.s32 $0xFFFFFF80  }
0x16e: {  	_ =	strace $0x9000004A  }
0x16f: {  	_ =	strace $0x8000004B  }
0x170: {  	[tilespmem:s11], [sflag:$0x5] =	stream.indirect.gather [hbm4b:s7+s5], $0x10, s5, s5, $0x2000b8;
	[tilespmem:$0x1100] =	vst v63  }
0x171: {  	_ =	swait.ge [sflag:s9], $0x800  }
0x172: {  	[sflag:s9] =	ssyncset.done $0x0  }
0x173: {  	[sflag:s9] =	ssyncadd.s32 $0xFFFFF800  }
0x174: {  	_ =	strace $0x9000004B  }
0x175: {  	_ =	strace $0x8000004C  }
0x176: {  	[hbm4b:s15+s3] =	stream.linear.scatter [tilespmem:s11], [sflag:$0x4], $0x800, $0x200038;
	[tilespmem:$0x1100] =	vst v63  }
0x177: {  	_ =	strace $0x9000004C  }
0x178: {  	_ =	strace $0x8000004D  }
0x179: {  	_ =	swait.ge [sflag:s12], $0x800  }
0x17a: {  	[sflag:s12] =	ssyncset.done $0x0  }
0x17b: {  	[sflag:s12] =	ssyncadd.s32 $0xFFFFF800  }
0x17c: {  	_ =	strace $0x9000004D  }
0x17d: {  	_ =	strace $0x8000004E  }
0x17e: {  	_ =	swait.ge [sflag:s14], $0x800  }
0x17f: {  	[sflag:s14] =	ssyncset.done $0x0  }
0x180: {  	[sflag:s14] =	ssyncadd.s32 $0xFFFFF800  }
0x181: {  	_ =	strace $0x9000004E  }
0x182: {  	_ =	strace $0x8000004F  }
0x183: {  	s1 =	rddreg [dreg:$0x6]  }
0x184: {  	[tilespmem:s3], [sflag:$0x1] =	stream.linear.gather [hbm4b:s1+s3], $0x80, $0x200038;
	[tilespmem:$0x1100] =	vst v63  }
0x185: {  	_ =	strace $0x9000004F  }
0x186: {  	_ =	strace $0x80000050  }
0x187: {  	[tilespmem:s5], [sflag:$0x2] =	stream.linear.gather [hbm4b:s16+s3], $0x80, $0x200038;
	[tilespmem:$0x1100] =	vst v63  }
0x188: {  	_ =	strace $0x90000050  }
0x189: {  	_ =	strace $0x80000051  }
0x18a: {  	_ =	swait.ge [sflag:s6], $0x80  }
0x18b: {  	[sflag:s6] =	ssyncset.done $0x0  }
0x18c: {  	[sflag:s6] =	ssyncadd.s32 $0xFFFFFF80  }
0x18d: {  	_ =	strace $0x90000051  }
0x18e: {  	_ =	strace $0x80000052  }
0x18f: {  	[tilespmem:s8], [sflag:$0x5] =	stream.indirect.gather [hbm4b:s17+s5], $0x10, s3, s5, $0x2000b8;
	[tilespmem:$0x1100] =	vst v63  }
0x190: {  	_ =	swait.ge [sflag:s9], $0x800  }
0x191: {  	[sflag:s9] =	ssyncset.done $0x0  }
0x192: {  	[sflag:s9] =	ssyncadd.s32 $0xFFFFF800  }
0x193: {  	_ =	strace $0x90000052  }
0x194: {  	_ =	strace $0x80000053  }
0x195: {  	[hbm4b:s18+s3] =	stream.linear.scatter [tilespmem:s8], [sflag:$0x3], $0x800, $0x200038;
	[tilespmem:$0x1100] =	vst v63  }
0x196: {  	_ =	strace $0x90000053  }
0x197: {  	_ =	strace $0x80000050  }
0x198: {  	[tilespmem:s3], [sflag:$0x1] =	stream.linear.gather [hbm4b:s19+s3], $0x80, $0x200038;
	[tilespmem:$0x1100] =	vst v63  }
0x199: {  	_ =	strace $0x90000050  }
0x19a: {  	_ =	strace $0x80000051  }
0x19b: {  	_ =	swait.ge [sflag:s10], $0x80  }
0x19c: {  	[sflag:s10] =	ssyncset.done $0x0  }
0x19d: {  	[sflag:s10] =	ssyncadd.s32 $0xFFFFFF80  }
0x19e: {  	_ =	strace $0x90000051  }
0x19f: {  	_ =	strace $0x80000052  }
0x1a0: {  	[tilespmem:s11], [sflag:$0x5] =	stream.indirect.gather [hbm4b:s17+s5], $0x10, s5, s5, $0x2000b8;
	[tilespmem:$0x1100] =	vst v63  }
0x1a1: {  	_ =	swait.ge [sflag:s9], $0x800  }
0x1a2: {  	[sflag:s9] =	ssyncset.done $0x0  }
0x1a3: {  	[sflag:s9] =	ssyncadd.s32 $0xFFFFF800  }
0x1a4: {  	_ =	strace $0x90000052  }
0x1a5: {  	_ =	strace $0x80000053  }
0x1a6: {  	[hbm4b:s20+s3] =	stream.linear.scatter [tilespmem:s11], [sflag:$0x4], $0x800, $0x200038;
	[tilespmem:$0x1100] =	vst v63  }
0x1a7: {  	_ =	strace $0x90000053  }
0x1a8: {  	_ =	strace $0x80000054  }
0x1a9: {  	_ =	swait.ge [sflag:s12], $0x800  }
0x1aa: {  	[sflag:s12] =	ssyncset.done $0x0  }
0x1ab: {  	[sflag:s12] =	ssyncadd.s32 $0xFFFFF800  }
0x1ac: {  	_ =	strace $0x90000054  }
0x1ad: {  	_ =	strace $0x80000050  }
0x1ae: {  	[tilespmem:s5], [sflag:$0x2] =	stream.linear.gather [hbm4b:s21+s3], $0x80, $0x200038;
	[tilespmem:$0x1100] =	vst v63  }
0x1af: {  	_ =	strace $0x90000050  }
0x1b0: {  	_ =	strace $0x80000051  }
0x1b1: {  	_ =	swait.ge [sflag:s6], $0x80  }
0x1b2: {  	[sflag:s6] =	ssyncset.done $0x0  }
0x1b3: {  	[sflag:s6] =	ssyncadd.s32 $0xFFFFFF80  }
0x1b4: {  	_ =	strace $0x90000051  }
0x1b5: {  	_ =	strace $0x80000052  }
0x1b6: {  	[tilespmem:s8], [sflag:$0x5] =	stream.indirect.gather [hbm4b:s17+s5], $0x10, s3, s5, $0x2000b8;
	[tilespmem:$0x1100] =	vst v63  }
0x1b7: {  	_ =	swait.ge [sflag:s9], $0x800  }
0x1b8: {  	[sflag:s9] =	ssyncset.done $0x0  }
0x1b9: {  	[sflag:s9] =	ssyncadd.s32 $0xFFFFF800  }
0x1ba: {  	_ =	strace $0x90000052  }
0x1bb: {  	_ =	strace $0x80000053  }
0x1bc: {  	[hbm4b:s22+s3] =	stream.linear.scatter [tilespmem:s8], [sflag:$0x3], $0x800, $0x200038;
	[tilespmem:$0x1100] =	vst v63  }
0x1bd: {  	_ =	strace $0x90000053  }
0x1be: {  	_ =	strace $0x80000054  }
0x1bf: {  	_ =	swait.ge [sflag:s14], $0x800  }
0x1c0: {  	[sflag:s14] =	ssyncset.done $0x0  }
0x1c1: {  	[sflag:s14] =	ssyncadd.s32 $0xFFFFF800  }
0x1c2: {  	_ =	strace $0x90000054  }
0x1c3: {  	_ =	strace $0x80000051  }
0x1c4: {  	_ =	swait.ge [sflag:s10], $0x80  }
0x1c5: {  	[sflag:s10] =	ssyncset.done $0x0  }
0x1c6: {  	[sflag:s10] =	ssyncadd.s32 $0xFFFFFF80  }
0x1c7: {  	_ =	strace $0x90000051  }
0x1c8: {  	_ =	strace $0x80000052  }
0x1c9: {  	[tilespmem:s11], [sflag:$0x5] =	stream.indirect.gather [hbm4b:s17+s5], $0x10, s5, s5, $0x2000b8;
	[tilespmem:$0x1100] =	vst v63  }
0x1ca: {  	_ =	swait.ge [sflag:s9], $0x800  }
0x1cb: {  	[sflag:s9] =	ssyncset.done $0x0  }
0x1cc: {  	[sflag:s9] =	ssyncadd.s32 $0xFFFFF800  }
0x1cd: {  	_ =	strace $0x90000052  }
0x1ce: {  	_ =	strace $0x80000053  }
0x1cf: {  	[hbm4b:s23+s3] =	stream.linear.scatter [tilespmem:s11], [sflag:$0x4], $0x800, $0x200038;
	[tilespmem:$0x1100] =	vst v63  }
0x1d0: {  	_ =	strace $0x90000053  }
0x1d1: {  	_ =	strace $0x80000054  }
0x1d2: {  	_ =	swait.ge [sflag:s12], $0x800  }
0x1d3: {  	[sflag:s12] =	ssyncset.done $0x0  }
0x1d4: {  	[sflag:s12] =	ssyncadd.s32 $0xFFFFF800  }
0x1d5: {  	_ =	strace $0x90000054  }
0x1d6: {  	_ =	strace $0x80000055  }
0x1d7: {  	_ =	swait.ge [sflag:s14], $0x800  }
0x1d8: {  	[sflag:s14] =	ssyncset.done $0x0  }
0x1d9: {  	[sflag:s14] =	ssyncadd.s32 $0xFFFFF800  }
0x1da: {  	_ =	strace $0x90000055  }
0x1db: {  	_ =	strace $0x80000056  }
0x1dc: {  	s1 =	rddreg [dreg:$0x7]  }
0x1dd: {  	[tilespmem:s3], [sflag:$0x1] =	stream.linear.gather [hbm4b:s1+s3], $0x80, $0x200038;
	[tilespmem:$0x1100] =	vst v63  }
0x1de: {  	_ =	strace $0x90000056  }
0x1df: {  	_ =	strace $0x80000057  }
0x1e0: {  	[tilespmem:s5], [sflag:$0x2] =	stream.linear.gather [hbm4b:s24+s3], $0x80, $0x200038;
	[tilespmem:$0x1100] =	vst v63  }
0x1e1: {  	_ =	strace $0x90000057  }
0x1e2: {  	_ =	strace $0x80000058  }
0x1e3: {  	_ =	swait.ge [sflag:s6], $0x80  }
0x1e4: {  	[sflag:s6] =	ssyncset.done $0x0  }
0x1e5: {  	[sflag:s6] =	ssyncadd.s32 $0xFFFFFF80  }
0x1e6: {  	_ =	strace $0x90000058  }
0x1e7: {  	_ =	strace $0x80000059  }
0x1e8: {  	[tilespmem:s8], [sflag:$0x5] =	stream.indirect.gather [hbm4b:s2+s5], $0x10, s3, s5, $0x2000b8;
	[tilespmem:$0x1100] =	vst v63  }
0x1e9: {  	_ =	swait.ge [sflag:s9], $0x800  }
0x1ea: {  	[sflag:s9] =	ssyncset.done $0x0  }
0x1eb: {  	[sflag:s9] =	ssyncadd.s32 $0xFFFFF800  }
0x1ec: {  	_ =	strace $0x90000059  }
0x1ed: {  	_ =	strace $0x8000005A  }
0x1ee: {  	[hbm4b:s25+s3] =	stream.linear.scatter [tilespmem:s8], [sflag:$0x3], $0x800, $0x200038;
	[tilespmem:$0x1100] =	vst v63  }
0x1ef: {  	_ =	strace $0x9000005A  }
0x1f0: {  	_ =	strace $0x80000057  }
0x1f1: {  	[tilespmem:s3], [sflag:$0x1] =	stream.linear.gather [hbm4b:s26+s3], $0x80, $0x200038;
	[tilespmem:$0x1100] =	vst v63  }
0x1f2: {  	_ =	strace $0x90000057  }
0x1f3: {  	_ =	strace $0x80000058  }
0x1f4: {  	_ =	swait.ge [sflag:s10], $0x80  }
0x1f5: {  	[sflag:s10] =	ssyncset.done $0x0  }
0x1f6: {  	[sflag:s10] =	ssyncadd.s32 $0xFFFFFF80  }
0x1f7: {  	_ =	strace $0x90000058  }
0x1f8: {  	_ =	strace $0x80000059  }
0x1f9: {  	[tilespmem:s11], [sflag:$0x5] =	stream.indirect.gather [hbm4b:s2+s5], $0x10, s5, s5, $0x2000b8;
	[tilespmem:$0x1100] =	vst v63  }
0x1fa: {  	_ =	swait.ge [sflag:s9], $0x800  }
0x1fb: {  	[sflag:s9] =	ssyncset.done $0x0  }
0x1fc: {  	[sflag:s9] =	ssyncadd.s32 $0xFFFFF800  }
0x1fd: {  	_ =	strace $0x90000059  }
0x1fe: {  	_ =	strace $0x8000005A  }
0x1ff: {  	[hbm4b:s28+s3] =	stream.linear.scatter [tilespmem:s11], [sflag:$0x4], $0x800, $0x200038;
	[tilespmem:$0x1100] =	vst v63  }
0x200: {  	_ =	strace $0x9000005A  }
0x201: {  	_ =	strace $0x8000005B  }
0x202: {  	_ =	swait.ge [sflag:s12], $0x800  }
0x203: {  	[sflag:s12] =	ssyncset.done $0x0  }
0x204: {  	[sflag:s12] =	ssyncadd.s32 $0xFFFFF800  }
0x205: {  	_ =	strace $0x9000005B  }
0x206: {  	_ =	strace $0x80000057  }
0x207: {  	[tilespmem:s5], [sflag:$0x2] =	stream.linear.gather [hbm4b:s29+s3], $0x80, $0x200038;
	[tilespmem:$0x1100] =	vst v63  }
0x208: {  	_ =	strace $0x90000057  }
0x209: {  	_ =	strace $0x80000058  }
0x20a: {  	_ =	swait.ge [sflag:s6], $0x80  }
0x20b: {  	[sflag:s6] =	ssyncset.done $0x0  }
0x20c: {  	[sflag:s6] =	ssyncadd.s32 $0xFFFFFF80  }
0x20d: {  	_ =	strace $0x90000058  }
0x20e: {  	_ =	strace $0x80000059  }
0x20f: {  	[tilespmem:s8], [sflag:$0x5] =	stream.indirect.gather [hbm4b:s2+s5], $0x10, s3, s5, $0x2000b8;
	[tilespmem:$0x1100] =	vst v63  }
0x210: {  	_ =	swait.ge [sflag:s9], $0x800  }
0x211: {  	[sflag:s9] =	ssyncset.done $0x0  }
0x212: {  	[sflag:s9] =	ssyncadd.s32 $0xFFFFF800  }
0x213: {  	_ =	strace $0x90000059  }
0x214: {  	_ =	strace $0x8000005A  }
0x215: {  	[hbm4b:s30+s3] =	stream.linear.scatter [tilespmem:s8], [sflag:$0x3], $0x800, $0x200038;
	[tilespmem:$0x1100] =	vst v63  }
0x216: {  	_ =	strace $0x9000005A  }
0x217: {  	_ =	strace $0x8000005B  }
0x218: {  	_ =	swait.ge [sflag:s14], $0x800  }
0x219: {  	[sflag:s14] =	ssyncset.done $0x0  }
0x21a: {  	[sflag:s14] =	ssyncadd.s32 $0xFFFFF800  }
0x21b: {  	_ =	strace $0x9000005B  }
0x21c: {  	_ =	strace $0x80000058  }
0x21d: {  	_ =	swait.ge [sflag:s10], $0x80  }
0x21e: {  	[sflag:s10] =	ssyncset.done $0x0  }
0x21f: {  	[sflag:s10] =	ssyncadd.s32 $0xFFFFFF80  }
0x220: {  	_ =	strace $0x90000058  }
0x221: {  	_ =	strace $0x80000059  }
0x222: {  	[tilespmem:s11], [sflag:$0x5] =	stream.indirect.gather [hbm4b:s2+s5], $0x10, s5, s5, $0x2000b8;
	[tilespmem:$0x1100] =	vst v63  }
0x223: {  	_ =	swait.ge [sflag:s9], $0x800  }
0x224: {  	[sflag:s9] =	ssyncset.done $0x0  }
0x225: {  	[sflag:s9] =	ssyncadd.s32 $0xFFFFF800  }
0x226: {  	_ =	strace $0x90000059  }
0x227: {  	_ =	strace $0x8000005A  }
0x228: {  	[hbm4b:s31+s3] =	stream.linear.scatter [tilespmem:s11], [sflag:$0x4], $0x800, $0x200038;
	[tilespmem:$0x1100] =	vst v63  }
0x229: {  	_ =	strace $0x9000005A  }
0x22a: {  	_ =	strace $0x8000005B  }
0x22b: {  	_ =	swait.ge [sflag:s12], $0x800  }
0x22c: {  	[sflag:s12] =	ssyncset.done $0x0  }
0x22d: {  	p0 =	sne.s32 s0, $0x1;
	[sflag:s12] =	ssyncadd.s32 $0xFFFFF800  }
.Ltmp1:
0x22e: {  	_ =	strace $0x9000005B;
	(pc) =	sbr.rel @p0 .LBB2_1-.Ltmp1, $4  }
0x22f: {  	_ =	strace $0x8000005C  }
0x230: {  	_ =	swait.ge [sflag:s14], $0x800  }
0x231: {  	[sflag:s14] =	ssyncset.done $0x0  }
0x232: {  	s0 =	sadd.s32 $0xFFFFFFFF, s0;
	[sflag:s14] =	ssyncadd.s32 $0xFFFFF800  }
.LBB2_2:
0x233: {  	_ =	strace $0x9000005C  }
0x234: {  	_ =	sfence.sel $0x180000  }
0x235: {  	[bflag:$0x0] =	sbarrier.arrive $0xFFFF  }
0x236: {  	_ =	strace $0x90000047  }
0x237: {  	s0 =	stileid.u32;
	[bflag:$0x2] =	sbarrier.arrive $0xFFFF  }
0x238: {  	p0 =	sne.s32 s0, $0x0;
	s0 =	rddreg [dreg:$0x5]  }
0x239: {  	s0 =	sadd.s32 @!p0 $0x100000, s0  }
0x23a: {  	[sflag:s0] =	ssyncadd.tile.s32 @!p0 $0x1;
	_ =	shalt  }
.Lfunc_end2:
_tile_overlayer_lowered:
.L_overlay_start_2:
0x23b: {  	(tag) =	ssettag $0x2  }
0x23c: {  	s0 =	rddreg [dreg:$0x0];
	s2 =	stileid.u32  }
0x23d: {  	s1 =	rddreg [dreg:$0x1];
	p0 =	sne.s32 s2, $0x0  }
0x23e: {  	s3 =	rddreg [dreg:$0x2];
	[bflag:$0x3] =	sbarrier.arrive $0xFFFF;
	s2 =	simm.s32 @!p0 $0x1C01  }
0x23f: {  	[timem:s3], [sflag:s2] =	dma.local @!p0 [hbm:s0], s1  }
0x240: {  	s0 =	simm.s32 @!p0 $0x1  }
0x241: {  	_ =	swait.ge @!p0 [sflag:s0], s1  }
0x242: {  	s1 =	ssub.s32 @!p0 $0x0, s1;
	[sflag:s0] =	ssyncset.done @!p0 $0x0  }
0x243: {  	[sflag:s0] =	ssyncadd.s32 @!p0 s1  }
0x244: {  	[bflag:$0x3] =	sbarrier.arrive $0xFFFF  }
0x245: {  	_ =	shalt  }

</sc_bundles>
